<compile_context>
chip_gen: v7x
topology: tpu7x:2x2x1
jax: 0.10.2.dev20260603
libtpu: 0.0.44.dev20260713+nightly
codegen_flags: <defaults>
</compile_context>

<pallas_src>
import functools

import jax
import jax.numpy as jnp
import numpy as np
from jax import lax
from jax.experimental import pallas as pl
from jax.experimental.pallas import tpu as pltpu
from jax.experimental.pallas import tpu_sc as plsc

N = 100000
D = 512
NC = 2
NS = 16
NW = NC * NS
CH = 120
NFULL = N // CH
TAIL = N - NFULL * CH
NCHUNKS = NFULL + 1
NPAD = NCHUNKS * CH
WCH = 27

_IDX_CACHE = None


def _perm_idx():
    global _IDX_CACHE
    if _IDX_CACHE is None:
        with jax.ensure_compile_time_eval():
            idx = jax.random.permutation(jax.random.key(42), N)
        perm = np.asarray(jax.device_get(idx), dtype=np.int32)
        _IDX_CACHE = np.concatenate(
            [perm, np.zeros(NPAD - N, dtype=np.int32)])
    return _IDX_CACHE


_mesh = plsc.VectorSubcoreMesh(core_axis_name="c", subcore_axis_name="s")


@functools.partial(
    pl.kernel,
    mesh=_mesh,
    out_type=jax.ShapeDtypeStruct((N, D), jnp.float32),
    scratch_types=[
        pltpu.VMEM((WCH * CH,), jnp.int32),
        pltpu.VMEM((2, CH, D), jnp.float32),
        pltpu.SemaphoreType.DMA,
        pltpu.SemaphoreType.DMA,
    ],
)
def _gather_rows(table_hbm, idx_hbm, out_hbm, idx_v, rows_v, sem0, sem1):
    wid = lax.axis_index("s") * NC + lax.axis_index("c")
    first = WCH * wid - jnp.minimum(wid, 30)
    pltpu.sync_copy(idx_hbm.at[pl.ds(first * CH, WCH * CH)], idx_v)
    base = first * CH
    sems = (sem0, sem1)

    def gather(k, slot):
        pltpu.async_copy(
            table_hbm.at[idx_v.at[pl.ds(k * CH, CH)]],
            rows_v.at[slot], sems[slot])

    def wait_gather(slot):
        pltpu.make_async_copy(
            table_hbm.at[pl.ds(0, CH)], rows_v.at[slot], sems[slot]).wait()

    gather(0, 0)

    def body(t, carry):
        k0 = 2 * t
        gather(k0 + 1, 1)
        wait_gather(0)
        pltpu.sync_copy(rows_v.at[0], out_hbm.at[pl.ds(base + k0 * CH, CH)])
        gather(k0 + 2, 0)
        wait_gather(1)
        pltpu.sync_copy(rows_v.at[1],
                        out_hbm.at[pl.ds(base + (k0 + 1) * CH, CH)])
        return carry

    lax.fori_loop(0, WCH // 2, body, 0)

    wait_gather(0)
    is_last_worker = wid == NW - 1

    @pl.when(is_last_worker)
    def _store_tail():
        pltpu.sync_copy(rows_v.at[0].at[pl.ds(0, TAIL)],
                        out_hbm.at[pl.ds(NFULL * CH, TAIL)])

    @pl.when(jnp.logical_not(is_last_worker))
    def _store_full():
        pltpu.sync_copy(rows_v.at[0],
                        out_hbm.at[pl.ds(base + (WCH - 1) * CH, CH)])


def kernel(features):
    return _gather_rows(features, jnp.asarray(_perm_idx()))

# --- scband reference (transcript-rebuilt; emitter-appended) ---
"""Pipeline reference for scband-permutate-graph-38895223832895 (READ-ONLY COPY).

The authoritative reference and input builder live on the scoring server;
editing this copy changes nothing except your own understanding.
"""

import jax, jax.numpy as jnp
import numpy as np

N = 100000
D = 512

def setup_inputs(seed: int = 0) -> dict:
    key = jax.random.key(seed)
    k1, _ = jax.random.split(key)
    features = jax.random.normal(k1, (N, D), dtype=jnp.float32)
    return {"features": features}

def reference(features):
    # Faithful translation of PermutateGraph.forward: shuffle rows with a random permutation.
    # torch.randperm is nondeterministic; here we use a fixed key for reproducibility.
    n = features.shape[0]
    perm_key = jax.random.key(42)
    idx = jax.random.permutation(perm_key, n)
    shuffled_features = jnp.take(features, idx, axis=0)
    return shuffled_features

if __name__ == "__main__":
    import jax
    _d = setup_inputs()
    print(jax.jit(kernel)(*tuple(_d.values())))

</pallas_src>

<mosaic_0001>
#map = affine_map<(d0, d1) -> (0, 0)>
#map1 = affine_map<(d0, d1) -> (0)>
module attributes {stable_mosaic.version = 14 : i64} {
  func.func @_gather_rows(%arg0: i32, %arg1: i32, %arg2: memref<100000x512xf32, #tpu.memory_space<hbm>>, %arg3: memref<100080xi32, #tpu.memory_space<hbm>>, %arg4: memref<100000x512xf32, #tpu.memory_space<hbm>>, %arg5: memref<3240xi32, #tpu.memory_space<vmem>>, %arg6: memref<2x120x512xf32, #tpu.memory_space<vmem>>, %arg7: memref<!tpu.dma_semaphore, #tpu.memory_space<semaphore_mem>>, %arg8: memref<!tpu.dma_semaphore, #tpu.memory_space<semaphore_mem>>) attributes {dimension_semantics = [#tpu.dimension_semantics<core_parallel>, #tpu.dimension_semantics<subcore_parallel>], iteration_bounds = array<i64: 2, 16>, scalar_prefetch = 0 : i64, scratch_operands = 4 : i64, tpu.core_type = #tpu.core_type<sc_vector_subcore>, window_params = [{transform_indices = #map}, {transform_indices = #map1}, {transform_indices = #map}]} {
    %mul3A = arith.constant 2 : i32
    %mul3A_0 = arith.muli %arg1, %mul3A : i32
    %add3A = arith.addi %mul3A_0, %arg0 : i32
    %mul3A_1 = arith.constant 27 : i32
    %mul3A_2 = arith.muli %mul3A_1, %add3A : i32
    %min3A = arith.constant 30 : i32
    %min3A_3 = arith.minsi %add3A, %min3A : i32
    %sub3A = arith.subi %mul3A_2, %min3A_3 : i32
    %mul3A_4 = arith.constant 120 : i32
    %mul3A_5 = arith.muli %sub3A, %mul3A_4 : i32
    "tpu.region"() ({
      %run_scoped3A = tpu.sem_alloc : memref<!tpu.dma_semaphore, #tpu.memory_space<semaphore_mem>>
      %dma_start3A_42 = tpu.memref_slice %arg3[%mul3A_5] : memref<100080xi32, #tpu.memory_space<hbm>> -> memref<3240xi32, #tpu.memory_space<hbm>>
      %dma_start3A_43 = tpu.memref_slice %arg3[%mul3A_5] : memref<100080xi32, #tpu.memory_space<hbm>> -> memref<3240xi32, #tpu.memory_space<hbm>>
      tpu.enqueue_dma source(%dma_start3A_43 : memref<3240xi32, #tpu.memory_space<hbm>>) target(%arg5 : memref<3240xi32, #tpu.memory_space<vmem>>) target_semaphore(%run_scoped3A : memref<!tpu.dma_semaphore, #tpu.memory_space<semaphore_mem>>)
      %dma_wait3A_44 = tpu.memref_slice %arg3[%mul3A_5] : memref<100080xi32, #tpu.memory_space<hbm>> -> memref<3240xi32, #tpu.memory_space<hbm>>
      %dma_wait3A_45 = tpu.memref_slice %arg3[%mul3A_5] : memref<100080xi32, #tpu.memory_space<hbm>> -> memref<3240xi32, #tpu.memory_space<hbm>>
      tpu.wait_dma2 semaphore(%run_scoped3A : memref<!tpu.dma_semaphore, #tpu.memory_space<semaphore_mem>>) src(%dma_wait3A_45 : memref<3240xi32, #tpu.memory_space<hbm>>) dst(%arg5 : memref<3240xi32, #tpu.memory_space<vmem>>)
      tpu.yield
    }) : () -> ()
    %mul3A_6 = arith.constant 120 : i32
    %mul3A_7 = arith.muli %sub3A, %mul3A_6 : i32
    %dma_start3A = arith.constant 0 : i32
    %dma_start3A_8 = arith.constant 0 : i32
    %dma_start3A_9 = arith.constant 0 : i32
    %dma_start3A_10 = tpu.memref_slice %arg6[%dma_start3A, %dma_start3A_8, %dma_start3A_9] : memref<2x120x512xf32, #tpu.memory_space<vmem>> -> memref<1x120x512xf32, #tpu.memory_space<vmem>>
    %dma_start3A_11 = tpu.memref_squeeze %dma_start3A_10 : memref<1x120x512xf32, #tpu.memory_space<vmem>> -> memref<120x512xf32, #tpu.memory_space<vmem>>
    %dma_start3A_12 = arith.constant 0 : i32
    %dma_start3A_13 = tpu.memref_slice %arg5[%dma_start3A_12] : memref<3240xi32, #tpu.memory_space<vmem>> -> memref<120xi32, #tpu.memory_space<vmem>>
    %dma_start3A_14 = arith.constant 0 : i32
    %dma_start3A_15 = arith.constant 0 : i32
    %dma_start3A_16 = tpu.memref_slice %arg2[%dma_start3A_14, %dma_start3A_15] : memref<100000x512xf32, #tpu.memory_space<hbm>> -> memref<100000x512xf32, #tpu.memory_space<hbm>>
    tpu.enqueue_indirect_dma source(%dma_start3A_16 : memref<100000x512xf32, #tpu.memory_space<hbm>>) target(%dma_start3A_11 : memref<120x512xf32, #tpu.memory_space<vmem>>) offsets(%dma_start3A_13 : memref<120xi32, #tpu.memory_space<vmem>>) semaphore(%arg7 : memref<!tpu.dma_semaphore, #tpu.memory_space<semaphore_mem>>)
    %scan3A = arith.constant 0 : i32
    %scan3A_17 = arith.constant 0 : i32
    %scan3A_18 = arith.constant 13 : i32
    %scan3A_19 = arith.addi %scan3A_17, %scan3A_18 : i32
    %scan3A_20 = arith.constant 1 : i32
    scf.for %scan3A_42 = %scan3A_17 to %scan3A_19 step %scan3A_20  : i32 {
      %mul3A_43 = arith.constant 2 : i32
      %mul3A_44 = arith.muli %mul3A_43, %scan3A_42 : i32
      %add3A_45 = arith.constant 1 : i32
      %add3A_46 = arith.addi %mul3A_44, %add3A_45 : i32
      %mul3A_47 = arith.constant 120 : i32
      %mul3A_48 = arith.muli %add3A_46, %mul3A_47 : i32
      %dma_start3A_49 = arith.constant 1 : i32
      %dma_start3A_50 = arith.constant 0 : i32
      %dma_start3A_51 = arith.constant 0 : i32
      %dma_start3A_52 = tpu.memref_slice %arg6[%dma_start3A_49, %dma_start3A_50, %dma_start3A_51] : memref<2x120x512xf32, #tpu.memory_space<vmem>> -> memref<1x120x512xf32, #tpu.memory_space<vmem>>
      %dma_start3A_53 = tpu.memref_squeeze %dma_start3A_52 : memref<1x120x512xf32, #tpu.memory_space<vmem>> -> memref<120x512xf32, #tpu.memory_space<vmem>>
      %dma_start3A_54 = tpu.memref_slice %arg5[%mul3A_48] : memref<3240xi32, #tpu.memory_space<vmem>> -> memref<120xi32, #tpu.memory_space<vmem>>
      %dma_start3A_55 = arith.constant 0 : i32
      %dma_start3A_56 = arith.constant 0 : i32
      %dma_start3A_57 = tpu.memref_slice %arg2[%dma_start3A_55, %dma_start3A_56] : memref<100000x512xf32, #tpu.memory_space<hbm>> -> memref<100000x512xf32, #tpu.memory_space<hbm>>
      tpu.enqueue_indirect_dma source(%dma_start3A_57 : memref<100000x512xf32, #tpu.memory_space<hbm>>) target(%dma_start3A_53 : memref<120x512xf32, #tpu.memory_space<vmem>>) offsets(%dma_start3A_54 : memref<120xi32, #tpu.memory_space<vmem>>) semaphore(%arg8 : memref<!tpu.dma_semaphore, #tpu.memory_space<semaphore_mem>>)
      %dma_wait3A_58 = arith.constant 0 : i32
      %dma_wait3A_59 = arith.constant 0 : i32
      %dma_wait3A_60 = arith.constant 0 : i32
      %dma_wait3A_61 = tpu.memref_slice %arg6[%dma_wait3A_58, %dma_wait3A_59, %dma_wait3A_60] : memref<2x120x512xf32, #tpu.memory_space<vmem>> -> memref<1x120x512xf32, #tpu.memory_space<vmem>>
      %dma_wait3A_62 = tpu.memref_squeeze %dma_wait3A_61 : memref<1x120x512xf32, #tpu.memory_space<vmem>> -> memref<120x512xf32, #tpu.memory_space<vmem>>
      %dma_wait3A_63 = arith.constant 0 : i32
      %dma_wait3A_64 = arith.constant 0 : i32
      %dma_wait3A_65 = tpu.memref_slice %arg2[%dma_wait3A_63, %dma_wait3A_64] : memref<100000x512xf32, #tpu.memory_space<hbm>> -> memref<120x512xf32, #tpu.memory_space<hbm>>
      %dma_wait3A_66 = arith.constant 0 : i32
      %dma_wait3A_67 = arith.constant 0 : i32
      %dma_wait3A_68 = tpu.memref_slice %arg6[%dma_wait3A_58, %dma_wait3A_66, %dma_wait3A_67] : memref<2x120x512xf32, #tpu.memory_space<vmem>> -> memref<1x120x512xf32, #tpu.memory_space<vmem>>
      %dma_wait3A_69 = tpu.memref_squeeze %dma_wait3A_68 : memref<1x120x512xf32, #tpu.memory_space<vmem>> -> memref<120x512xf32, #tpu.memory_space<vmem>>
      %dma_wait3A_70 = arith.constant 0 : i32
      %dma_wait3A_71 = arith.constant 0 : i32
      %dma_wait3A_72 = tpu.memref_slice %arg2[%dma_wait3A_70, %dma_wait3A_71] : memref<100000x512xf32, #tpu.memory_space<hbm>> -> memref<120x512xf32, #tpu.memory_space<hbm>>
      tpu.wait_dma2 semaphore(%arg7 : memref<!tpu.dma_semaphore, #tpu.memory_space<semaphore_mem>>) src(%dma_wait3A_72 : memref<120x512xf32, #tpu.memory_space<hbm>>) dst(%dma_wait3A_69 : memref<120x512xf32, #tpu.memory_space<vmem>>)
      %mul3A_73 = arith.constant 120 : i32
      %mul3A_74 = arith.muli %mul3A_44, %mul3A_73 : i32
      %add3A_75 = arith.addi %mul3A_7, %mul3A_74 : i32
      %run_scoped3A = arith.constant 0 : i32
      "tpu.region"() ({
        %run_scoped3A_110 = tpu.sem_alloc : memref<!tpu.dma_semaphore, #tpu.memory_space<semaphore_mem>>
        %dma_start3A_111 = arith.constant 0 : i32
        %dma_start3A_112 = arith.constant 0 : i32
        %dma_start3A_113 = tpu.memref_slice %arg6[%run_scoped3A, %dma_start3A_111, %dma_start3A_112] : memref<2x120x512xf32, #tpu.memory_space<vmem>> -> memref<1x120x512xf32, #tpu.memory_space<vmem>>
        %dma_start3A_114 = tpu.memref_squeeze %dma_start3A_113 : memref<1x120x512xf32, #tpu.memory_space<vmem>> -> memref<120x512xf32, #tpu.memory_space<vmem>>
        %dma_start3A_115 = arith.constant 0 : i32
        %dma_start3A_116 = tpu.memref_slice %arg4[%add3A_75, %dma_start3A_115] : memref<100000x512xf32, #tpu.memory_space<hbm>> -> memref<120x512xf32, #tpu.memory_space<hbm>>
        %dma_start3A_117 = arith.constant 0 : i32
        %dma_start3A_118 = tpu.memref_slice %arg4[%add3A_75, %dma_start3A_117] : memref<100000x512xf32, #tpu.memory_space<hbm>> -> memref<120x512xf32, #tpu.memory_space<hbm>>
        %dma_start3A_119 = arith.constant 0 : i32
        %dma_start3A_120 = arith.constant 0 : i32
        %dma_start3A_121 = tpu.memref_slice %arg6[%run_scoped3A, %dma_start3A_119, %dma_start3A_120] : memref<2x120x512xf32, #tpu.memory_space<vmem>> -> memref<1x120x512xf32, #tpu.memory_space<vmem>>
        %dma_start3A_122 = tpu.memref_squeeze %dma_start3A_121 : memref<1x120x512xf32, #tpu.memory_space<vmem>> -> memref<120x512xf32, #tpu.memory_space<vmem>>
        tpu.enqueue_dma source(%dma_start3A_122 : memref<120x512xf32, #tpu.memory_space<vmem>>) target(%dma_start3A_118 : memref<120x512xf32, #tpu.memory_space<hbm>>) target_semaphore(%run_scoped3A_110 : memref<!tpu.dma_semaphore, #tpu.memory_space<semaphore_mem>>)
        %dma_wait3A_123 = arith.constant 0 : i32
        %dma_wait3A_124 = arith.constant 0 : i32
        %dma_wait3A_125 = tpu.memref_slice %arg6[%run_scoped3A, %dma_wait3A_123, %dma_wait3A_124] : memref<2x120x512xf32, #tpu.memory_space<vmem>> -> memref<1x120x512xf32, #tpu.memory_space<vmem>>
        %dma_wait3A_126 = tpu.memref_squeeze %dma_wait3A_125 : memref<1x120x512xf32, #tpu.memory_space<vmem>> -> memref<120x512xf32, #tpu.memory_space<vmem>>
        %dma_wait3A_127 = arith.constant 0 : i32
        %dma_wait3A_128 = tpu.memref_slice %arg4[%add3A_75, %dma_wait3A_127] : memref<100000x512xf32, #tpu.memory_space<hbm>> -> memref<120x512xf32, #tpu.memory_space<hbm>>
        %dma_wait3A_129 = arith.constant 0 : i32
        %dma_wait3A_130 = tpu.memref_slice %arg4[%add3A_75, %dma_wait3A_129] : memref<100000x512xf32, #tpu.memory_space<hbm>> -> memref<120x512xf32, #tpu.memory_space<hbm>>
        %dma_wait3A_131 = arith.constant 0 : i32
        %dma_wait3A_132 = arith.constant 0 : i32
        %dma_wait3A_133 = tpu.memref_slice %arg6[%run_scoped3A, %dma_wait3A_131, %dma_wait3A_132] : memref<2x120x512xf32, #tpu.memory_space<vmem>> -> memref<1x120x512xf32, #tpu.memory_space<vmem>>
        %dma_wait3A_134 = tpu.memref_squeeze %dma_wait3A_133 : memref<1x120x512xf32, #tpu.memory_space<vmem>> -> memref<120x512xf32, #tpu.memory_space<vmem>>
        tpu.wait_dma2 semaphore(%run_scoped3A_110 : memref<!tpu.dma_semaphore, #tpu.memory_space<semaphore_mem>>) src(%dma_wait3A_134 : memref<120x512xf32, #tpu.memory_space<vmem>>) dst(%dma_wait3A_130 : memref<120x512xf32, #tpu.memory_space<hbm>>)
        tpu.yield
      }) : () -> ()
      %add3A_76 = arith.constant 2 : i32
      %add3A_77 = arith.addi %mul3A_44, %add3A_76 : i32
      %mul3A_78 = arith.constant 120 : i32
      %mul3A_79 = arith.muli %add3A_77, %mul3A_78 : i32
      %dma_start3A_80 = arith.constant 0 : i32
      %dma_start3A_81 = arith.constant 0 : i32
      %dma_start3A_82 = arith.constant 0 : i32
      %dma_start3A_83 = tpu.memref_slice %arg6[%dma_start3A_80, %dma_start3A_81, %dma_start3A_82] : memref<2x120x512xf32, #tpu.memory_space<vmem>> -> memref<1x120x512xf32, #tpu.memory_space<vmem>>
      %dma_start3A_84 = tpu.memref_squeeze %dma_start3A_83 : memref<1x120x512xf32, #tpu.memory_space<vmem>> -> memref<120x512xf32, #tpu.memory_space<vmem>>
      %dma_start3A_85 = tpu.memref_slice %arg5[%mul3A_79] : memref<3240xi32, #tpu.memory_space<vmem>> -> memref<120xi32, #tpu.memory_space<vmem>>
      %dma_start3A_86 = arith.constant 0 : i32
      %dma_start3A_87 = arith.constant 0 : i32
      %dma_start3A_88 = tpu.memref_slice %arg2[%dma_start3A_86, %dma_start3A_87] : memref<100000x512xf32, #tpu.memory_space<hbm>> -> memref<100000x512xf32, #tpu.memory_space<hbm>>
      tpu.enqueue_indirect_dma source(%dma_start3A_88 : memref<100000x512xf32, #tpu.memory_space<hbm>>) target(%dma_start3A_84 : memref<120x512xf32, #tpu.memory_space<vmem>>) offsets(%dma_start3A_85 : memref<120xi32, #tpu.memory_space<vmem>>) semaphore(%arg7 : memref<!tpu.dma_semaphore, #tpu.memory_space<semaphore_mem>>)
      %dma_wait3A_89 = arith.constant 1 : i32
      %dma_wait3A_90 = arith.constant 0 : i32
      %dma_wait3A_91 = arith.constant 0 : i32
      %dma_wait3A_92 = tpu.memref_slice %arg6[%dma_wait3A_89, %dma_wait3A_90, %dma_wait3A_91] : memref<2x120x512xf32, #tpu.memory_space<vmem>> -> memref<1x120x512xf32, #tpu.memory_space<vmem>>
      %dma_wait3A_93 = tpu.memref_squeeze %dma_wait3A_92 : memref<1x120x512xf32, #tpu.memory_space<vmem>> -> memref<120x512xf32, #tpu.memory_space<vmem>>
      %dma_wait3A_94 = arith.constant 0 : i32
      %dma_wait3A_95 = arith.constant 0 : i32
      %dma_wait3A_96 = tpu.memref_slice %arg2[%dma_wait3A_94, %dma_wait3A_95] : memref<100000x512xf32, #tpu.memory_space<hbm>> -> memref<120x512xf32, #tpu.memory_space<hbm>>
      %dma_wait3A_97 = arith.constant 0 : i32
      %dma_wait3A_98 = arith.constant 0 : i32
      %dma_wait3A_99 = tpu.memref_slice %arg6[%dma_wait3A_89, %dma_wait3A_97, %dma_wait3A_98] : memref<2x120x512xf32, #tpu.memory_space<vmem>> -> memref<1x120x512xf32, #tpu.memory_space<vmem>>
      %dma_wait3A_100 = tpu.memref_squeeze %dma_wait3A_99 : memref<1x120x512xf32, #tpu.memory_space<vmem>> -> memref<120x512xf32, #tpu.memory_space<vmem>>
      %dma_wait3A_101 = arith.constant 0 : i32
      %dma_wait3A_102 = arith.constant 0 : i32
      %dma_wait3A_103 = tpu.memref_slice %arg2[%dma_wait3A_101, %dma_wait3A_102] : memref<100000x512xf32, #tpu.memory_space<hbm>> -> memref<120x512xf32, #tpu.memory_space<hbm>>
      tpu.wait_dma2 semaphore(%arg8 : memref<!tpu.dma_semaphore, #tpu.memory_space<semaphore_mem>>) src(%dma_wait3A_103 : memref<120x512xf32, #tpu.memory_space<hbm>>) dst(%dma_wait3A_100 : memref<120x512xf32, #tpu.memory_space<vmem>>)
      %add3A_104 = arith.constant 1 : i32
      %add3A_105 = arith.addi %mul3A_44, %add3A_104 : i32
      %mul3A_106 = arith.constant 120 : i32
      %mul3A_107 = arith.muli %add3A_105, %mul3A_106 : i32
      %add3A_108 = arith.addi %mul3A_7, %mul3A_107 : i32
      %run_scoped3A_109 = arith.constant 1 : i32
      "tpu.region"() ({
        %run_scoped3A_110 = tpu.sem_alloc : memref<!tpu.dma_semaphore, #tpu.memory_space<semaphore_mem>>
        %dma_start3A_111 = arith.constant 0 : i32
        %dma_start3A_112 = arith.constant 0 : i32
        %dma_start3A_113 = tpu.memref_slice %arg6[%run_scoped3A_109, %dma_start3A_111, %dma_start3A_112] : memref<2x120x512xf32, #tpu.memory_space<vmem>> -> memref<1x120x512xf32, #tpu.memory_space<vmem>>
        %dma_start3A_114 = tpu.memref_squeeze %dma_start3A_113 : memref<1x120x512xf32, #tpu.memory_space<vmem>> -> memref<120x512xf32, #tpu.memory_space<vmem>>
        %dma_start3A_115 = arith.constant 0 : i32
        %dma_start3A_116 = tpu.memref_slice %arg4[%add3A_108, %dma_start3A_115] : memref<100000x512xf32, #tpu.memory_space<hbm>> -> memref<120x512xf32, #tpu.memory_space<hbm>>
        %dma_start3A_117 = arith.constant 0 : i32
        %dma_start3A_118 = tpu.memref_slice %arg4[%add3A_108, %dma_start3A_117] : memref<100000x512xf32, #tpu.memory_space<hbm>> -> memref<120x512xf32, #tpu.memory_space<hbm>>
        %dma_start3A_119 = arith.constant 0 : i32
        %dma_start3A_120 = arith.constant 0 : i32
        %dma_start3A_121 = tpu.memref_slice %arg6[%run_scoped3A_109, %dma_start3A_119, %dma_start3A_120] : memref<2x120x512xf32, #tpu.memory_space<vmem>> -> memref<1x120x512xf32, #tpu.memory_space<vmem>>
        %dma_start3A_122 = tpu.memref_squeeze %dma_start3A_121 : memref<1x120x512xf32, #tpu.memory_space<vmem>> -> memref<120x512xf32, #tpu.memory_space<vmem>>
        tpu.enqueue_dma source(%dma_start3A_122 : memref<120x512xf32, #tpu.memory_space<vmem>>) target(%dma_start3A_118 : memref<120x512xf32, #tpu.memory_space<hbm>>) target_semaphore(%run_scoped3A_110 : memref<!tpu.dma_semaphore, #tpu.memory_space<semaphore_mem>>)
        %dma_wait3A_123 = arith.constant 0 : i32
        %dma_wait3A_124 = arith.constant 0 : i32
        %dma_wait3A_125 = tpu.memref_slice %arg6[%run_scoped3A_109, %dma_wait3A_123, %dma_wait3A_124] : memref<2x120x512xf32, #tpu.memory_space<vmem>> -> memref<1x120x512xf32, #tpu.memory_space<vmem>>
        %dma_wait3A_126 = tpu.memref_squeeze %dma_wait3A_125 : memref<1x120x512xf32, #tpu.memory_space<vmem>> -> memref<120x512xf32, #tpu.memory_space<vmem>>
        %dma_wait3A_127 = arith.constant 0 : i32
        %dma_wait3A_128 = tpu.memref_slice %arg4[%add3A_108, %dma_wait3A_127] : memref<100000x512xf32, #tpu.memory_space<hbm>> -> memref<120x512xf32, #tpu.memory_space<hbm>>
        %dma_wait3A_129 = arith.constant 0 : i32
        %dma_wait3A_130 = tpu.memref_slice %arg4[%add3A_108, %dma_wait3A_129] : memref<100000x512xf32, #tpu.memory_space<hbm>> -> memref<120x512xf32, #tpu.memory_space<hbm>>
        %dma_wait3A_131 = arith.constant 0 : i32
        %dma_wait3A_132 = arith.constant 0 : i32
        %dma_wait3A_133 = tpu.memref_slice %arg6[%run_scoped3A_109, %dma_wait3A_131, %dma_wait3A_132] : memref<2x120x512xf32, #tpu.memory_space<vmem>> -> memref<1x120x512xf32, #tpu.memory_space<vmem>>
        %dma_wait3A_134 = tpu.memref_squeeze %dma_wait3A_133 : memref<1x120x512xf32, #tpu.memory_space<vmem>> -> memref<120x512xf32, #tpu.memory_space<vmem>>
        tpu.wait_dma2 semaphore(%run_scoped3A_110 : memref<!tpu.dma_semaphore, #tpu.memory_space<semaphore_mem>>) src(%dma_wait3A_134 : memref<120x512xf32, #tpu.memory_space<vmem>>) dst(%dma_wait3A_130 : memref<120x512xf32, #tpu.memory_space<hbm>>)
        tpu.yield
      }) : () -> ()
    }
    %scan3A_21 = arith.constant 13 : i32
    %dma_wait3A = arith.constant 0 : i32
    %dma_wait3A_22 = arith.constant 0 : i32
    %dma_wait3A_23 = arith.constant 0 : i32
    %dma_wait3A_24 = tpu.memref_slice %arg6[%dma_wait3A, %dma_wait3A_22, %dma_wait3A_23] : memref<2x120x512xf32, #tpu.memory_space<vmem>> -> memref<1x120x512xf32, #tpu.memory_space<vmem>>
    %dma_wait3A_25 = tpu.memref_squeeze %dma_wait3A_24 : memref<1x120x512xf32, #tpu.memory_space<vmem>> -> memref<120x512xf32, #tpu.memory_space<vmem>>
    %dma_wait3A_26 = arith.constant 0 : i32
    %dma_wait3A_27 = arith.constant 0 : i32
    %dma_wait3A_28 = tpu.memref_slice %arg2[%dma_wait3A_26, %dma_wait3A_27] : memref<100000x512xf32, #tpu.memory_space<hbm>> -> memref<120x512xf32, #tpu.memory_space<hbm>>
    %dma_wait3A_29 = arith.constant 0 : i32
    %dma_wait3A_30 = arith.constant 0 : i32
    %dma_wait3A_31 = tpu.memref_slice %arg6[%dma_wait3A, %dma_wait3A_29, %dma_wait3A_30] : memref<2x120x512xf32, #tpu.memory_space<vmem>> -> memref<1x120x512xf32, #tpu.memory_space<vmem>>
    %dma_wait3A_32 = tpu.memref_squeeze %dma_wait3A_31 : memref<1x120x512xf32, #tpu.memory_space<vmem>> -> memref<120x512xf32, #tpu.memory_space<vmem>>
    %dma_wait3A_33 = arith.constant 0 : i32
    %dma_wait3A_34 = arith.constant 0 : i32
    %dma_wait3A_35 = tpu.memref_slice %arg2[%dma_wait3A_33, %dma_wait3A_34] : memref<100000x512xf32, #tpu.memory_space<hbm>> -> memref<120x512xf32, #tpu.memory_space<hbm>>
    tpu.wait_dma2 semaphore(%arg7 : memref<!tpu.dma_semaphore, #tpu.memory_space<semaphore_mem>>) src(%dma_wait3A_35 : memref<120x512xf32, #tpu.memory_space<hbm>>) dst(%dma_wait3A_32 : memref<120x512xf32, #tpu.memory_space<vmem>>)
    %eq3A = arith.constant 31 : i32
    %eq3A_36 = arith.cmpi eq, %add3A, %eq3A : i32
    %convert_element_type3A = arith.extui %eq3A_36 : i1 to i32
    %cond3A = arith.constant 0 : i32
    %cond3A_37 = arith.cmpi ne, %convert_element_type3A, %cond3A : i32
    scf.if %cond3A_37 {
      %run_scoped3A = arith.constant 0 : i32
      "tpu.region"() ({
        %run_scoped3A_42 = tpu.sem_alloc : memref<!tpu.dma_semaphore, #tpu.memory_space<semaphore_mem>>
        %dma_start3A_43 = arith.constant 0 : i32
        %dma_start3A_44 = arith.constant 0 : i32
        %dma_start3A_45 = tpu.memref_slice %arg6[%run_scoped3A, %dma_start3A_43, %dma_start3A_44] : memref<2x120x512xf32, #tpu.memory_space<vmem>> -> memref<1x120x512xf32, #tpu.memory_space<vmem>>
        %dma_start3A_46 = tpu.memref_squeeze %dma_start3A_45 : memref<1x120x512xf32, #tpu.memory_space<vmem>> -> memref<120x512xf32, #tpu.memory_space<vmem>>
        %dma_start3A_47 = arith.constant 0 : i32
        %dma_start3A_48 = arith.constant 0 : i32
        %dma_start3A_49 = tpu.memref_slice %dma_start3A_46[%dma_start3A_47, %dma_start3A_48] : memref<120x512xf32, #tpu.memory_space<vmem>> -> memref<40x512xf32, #tpu.memory_space<vmem>>
        %dma_start3A_50 = arith.constant 99960 : i32
        %dma_start3A_51 = arith.constant 0 : i32
        %dma_start3A_52 = tpu.memref_slice %arg4[%dma_start3A_50, %dma_start3A_51] : memref<100000x512xf32, #tpu.memory_space<hbm>> -> memref<40x512xf32, #tpu.memory_space<hbm>>
        %dma_start3A_53 = arith.constant 99960 : i32
        %dma_start3A_54 = arith.constant 0 : i32
        %dma_start3A_55 = tpu.memref_slice %arg4[%dma_start3A_53, %dma_start3A_54] : memref<100000x512xf32, #tpu.memory_space<hbm>> -> memref<40x512xf32, #tpu.memory_space<hbm>>
        %dma_start3A_56 = arith.constant 0 : i32
        %dma_start3A_57 = arith.constant 0 : i32
        %dma_start3A_58 = tpu.memref_slice %arg6[%run_scoped3A, %dma_start3A_56, %dma_start3A_57] : memref<2x120x512xf32, #tpu.memory_space<vmem>> -> memref<1x120x512xf32, #tpu.memory_space<vmem>>
        %dma_start3A_59 = tpu.memref_squeeze %dma_start3A_58 : memref<1x120x512xf32, #tpu.memory_space<vmem>> -> memref<120x512xf32, #tpu.memory_space<vmem>>
        %dma_start3A_60 = arith.constant 0 : i32
        %dma_start3A_61 = arith.constant 0 : i32
        %dma_start3A_62 = tpu.memref_slice %dma_start3A_59[%dma_start3A_60, %dma_start3A_61] : memref<120x512xf32, #tpu.memory_space<vmem>> -> memref<40x512xf32, #tpu.memory_space<vmem>>
        tpu.enqueue_dma source(%dma_start3A_62 : memref<40x512xf32, #tpu.memory_space<vmem>>) target(%dma_start3A_55 : memref<40x512xf32, #tpu.memory_space<hbm>>) target_semaphore(%run_scoped3A_42 : memref<!tpu.dma_semaphore, #tpu.memory_space<semaphore_mem>>)
        %dma_wait3A_63 = arith.constant 0 : i32
        %dma_wait3A_64 = arith.constant 0 : i32
        %dma_wait3A_65 = tpu.memref_slice %arg6[%run_scoped3A, %dma_wait3A_63, %dma_wait3A_64] : memref<2x120x512xf32, #tpu.memory_space<vmem>> -> memref<1x120x512xf32, #tpu.memory_space<vmem>>
        %dma_wait3A_66 = tpu.memref_squeeze %dma_wait3A_65 : memref<1x120x512xf32, #tpu.memory_space<vmem>> -> memref<120x512xf32, #tpu.memory_space<vmem>>
        %dma_wait3A_67 = arith.constant 0 : i32
        %dma_wait3A_68 = arith.constant 0 : i32
        %dma_wait3A_69 = tpu.memref_slice %dma_wait3A_66[%dma_wait3A_67, %dma_wait3A_68] : memref<120x512xf32, #tpu.memory_space<vmem>> -> memref<40x512xf32, #tpu.memory_space<vmem>>
        %dma_wait3A_70 = arith.constant 99960 : i32
        %dma_wait3A_71 = arith.constant 0 : i32
        %dma_wait3A_72 = tpu.memref_slice %arg4[%dma_wait3A_70, %dma_wait3A_71] : memref<100000x512xf32, #tpu.memory_space<hbm>> -> memref<40x512xf32, #tpu.memory_space<hbm>>
        %dma_wait3A_73 = arith.constant 99960 : i32
        %dma_wait3A_74 = arith.constant 0 : i32
        %dma_wait3A_75 = tpu.memref_slice %arg4[%dma_wait3A_73, %dma_wait3A_74] : memref<100000x512xf32, #tpu.memory_space<hbm>> -> memref<40x512xf32, #tpu.memory_space<hbm>>
        %dma_wait3A_76 = arith.constant 0 : i32
        %dma_wait3A_77 = arith.constant 0 : i32
        %dma_wait3A_78 = tpu.memref_slice %arg6[%run_scoped3A, %dma_wait3A_76, %dma_wait3A_77] : memref<2x120x512xf32, #tpu.memory_space<vmem>> -> memref<1x120x512xf32, #tpu.memory_space<vmem>>
        %dma_wait3A_79 = tpu.memref_squeeze %dma_wait3A_78 : memref<1x120x512xf32, #tpu.memory_space<vmem>> -> memref<120x512xf32, #tpu.memory_space<vmem>>
        %dma_wait3A_80 = arith.constant 0 : i32
        %dma_wait3A_81 = arith.constant 0 : i32
        %dma_wait3A_82 = tpu.memref_slice %dma_wait3A_79[%dma_wait3A_80, %dma_wait3A_81] : memref<120x512xf32, #tpu.memory_space<vmem>> -> memref<40x512xf32, #tpu.memory_space<vmem>>
        tpu.wait_dma2 semaphore(%run_scoped3A_42 : memref<!tpu.dma_semaphore, #tpu.memory_space<semaphore_mem>>) src(%dma_wait3A_82 : memref<40x512xf32, #tpu.memory_space<vmem>>) dst(%dma_wait3A_75 : memref<40x512xf32, #tpu.memory_space<hbm>>)
        tpu.yield
      }) : () -> ()
    } else {
    }
    %not3A = arith.constant true
    %not3A_38 = arith.xori %eq3A_36, %not3A : i1
    %convert_element_type3A_39 = arith.extui %not3A_38 : i1 to i32
    %cond3A_40 = arith.constant 0 : i32
    %cond3A_41 = arith.cmpi ne, %convert_element_type3A_39, %cond3A_40 : i32
    scf.if %cond3A_41 {
      %add3A_42 = arith.constant 3120 : i32
      %add3A_43 = arith.addi %mul3A_7, %add3A_42 : i32
      %run_scoped3A = arith.constant 0 : i32
      "tpu.region"() ({
        %run_scoped3A_44 = tpu.sem_alloc : memref<!tpu.dma_semaphore, #tpu.memory_space<semaphore_mem>>
        %dma_start3A_45 = arith.constant 0 : i32
        %dma_start3A_46 = arith.constant 0 : i32
        %dma_start3A_47 = tpu.memref_slice %arg6[%run_scoped3A, %dma_start3A_45, %dma_start3A_46] : memref<2x120x512xf32, #tpu.memory_space<vmem>> -> memref<1x120x512xf32, #tpu.memory_space<vmem>>
        %dma_start3A_48 = tpu.memref_squeeze %dma_start3A_47 : memref<1x120x512xf32, #tpu.memory_space<vmem>> -> memref<120x512xf32, #tpu.memory_space<vmem>>
        %dma_start3A_49 = arith.constant 0 : i32
        %dma_start3A_50 = tpu.memref_slice %arg4[%add3A_43, %dma_start3A_49] : memref<100000x512xf32, #tpu.memory_space<hbm>> -> memref<120x512xf32, #tpu.memory_space<hbm>>
        %dma_start3A_51 = arith.constant 0 : i32
        %dma_start3A_52 = tpu.memref_slice %arg4[%add3A_43, %dma_start3A_51] : memref<100000x512xf32, #tpu.memory_space<hbm>> -> memref<120x512xf32, #tpu.memory_space<hbm>>
        %dma_start3A_53 = arith.constant 0 : i32
        %dma_start3A_54 = arith.constant 0 : i32
        %dma_start3A_55 = tpu.memref_slice %arg6[%run_scoped3A, %dma_start3A_53, %dma_start3A_54] : memref<2x120x512xf32, #tpu.memory_space<vmem>> -> memref<1x120x512xf32, #tpu.memory_space<vmem>>
        %dma_start3A_56 = tpu.memref_squeeze %dma_start3A_55 : memref<1x120x512xf32, #tpu.memory_space<vmem>> -> memref<120x512xf32, #tpu.memory_space<vmem>>
        tpu.enqueue_dma source(%dma_start3A_56 : memref<120x512xf32, #tpu.memory_space<vmem>>) target(%dma_start3A_52 : memref<120x512xf32, #tpu.memory_space<hbm>>) target_semaphore(%run_scoped3A_44 : memref<!tpu.dma_semaphore, #tpu.memory_space<semaphore_mem>>)
        %dma_wait3A_57 = arith.constant 0 : i32
        %dma_wait3A_58 = arith.constant 0 : i32
        %dma_wait3A_59 = tpu.memref_slice %arg6[%run_scoped3A, %dma_wait3A_57, %dma_wait3A_58] : memref<2x120x512xf32, #tpu.memory_space<vmem>> -> memref<1x120x512xf32, #tpu.memory_space<vmem>>
        %dma_wait3A_60 = tpu.memref_squeeze %dma_wait3A_59 : memref<1x120x512xf32, #tpu.memory_space<vmem>> -> memref<120x512xf32, #tpu.memory_space<vmem>>
        %dma_wait3A_61 = arith.constant 0 : i32
        %dma_wait3A_62 = tpu.memref_slice %arg4[%add3A_43, %dma_wait3A_61] : memref<100000x512xf32, #tpu.memory_space<hbm>> -> memref<120x512xf32, #tpu.memory_space<hbm>>
        %dma_wait3A_63 = arith.constant 0 : i32
        %dma_wait3A_64 = tpu.memref_slice %arg4[%add3A_43, %dma_wait3A_63] : memref<100000x512xf32, #tpu.memory_space<hbm>> -> memref<120x512xf32, #tpu.memory_space<hbm>>
        %dma_wait3A_65 = arith.constant 0 : i32
        %dma_wait3A_66 = arith.constant 0 : i32
        %dma_wait3A_67 = tpu.memref_slice %arg6[%run_scoped3A, %dma_wait3A_65, %dma_wait3A_66] : memref<2x120x512xf32, #tpu.memory_space<vmem>> -> memref<1x120x512xf32, #tpu.memory_space<vmem>>
        %dma_wait3A_68 = tpu.memref_squeeze %dma_wait3A_67 : memref<1x120x512xf32, #tpu.memory_space<vmem>> -> memref<120x512xf32, #tpu.memory_space<vmem>>
        tpu.wait_dma2 semaphore(%run_scoped3A_44 : memref<!tpu.dma_semaphore, #tpu.memory_space<semaphore_mem>>) src(%dma_wait3A_68 : memref<120x512xf32, #tpu.memory_space<vmem>>) dst(%dma_wait3A_64 : memref<120x512xf32, #tpu.memory_space<hbm>>)
        tpu.yield
      }) : () -> ()
    } else {
    }
    return
  }
}

</mosaic_0001>

<sc_bundles>
// kernel: kernel.3.cloned.1.call-start
scs
__scs_entry_jumppad:
0x0: {  	(pc) =	sbr.rel $0x88, $3  }
0x1: {  	(tag) =	ssettag $0x0;
	lr =	simm.s32 $0x1  }
0x2: {  	[smem:$0x3FA0] =	sst lr;
	_ =	strace $0xD0000000  }
0x3: {  	_ = 	snop  }
0x4: {  	_ = 	snop  }
0x5: {  	_ = 	snop  }
0x6: {  	_ = 	snop  }
0x7: {  	_ = 	snop  }
__scs_overlays_trampoline_lowered:
0x8: {  	[smem:$0x3FAF] =	sst s0  }
0x9: {  	[smem:$0x3FB0] =	sst s1  }
0xa: {  	[smem:$0x3FB1] =	sst s2  }
0xb: {  	[smem:$0x3FB2] =	sst s3  }
0xc: {  	[smem:$0x3FB3] =	sst s4  }
0xd: {  	[smem:$0x3FB4] =	sst s5  }
0xe: {  	[smem:$0x3FB5] =	sst s6  }
0xf: {  	[smem:$0x3FB6] =	sst s7  }
0x10: {  	[smem:$0x3FB7] =	sst s8  }
0x11: {  	[smem:$0x3FB8] =	sst s9;
	s0 =	simm.s32 @!p0 $0x0  }
0x12: {  	s1 =	sld [smem:$0x3F9E];
	s0 =	simm.s32 @p0 $0x1  }
0x13: {  	[smem:$0x3FB9] =	sst s0;
	s0 =	simm.s32 @!p1 $0x0  }
0x14: {  	s2 =	sld [smem:$0x3F9D];
	s0 =	simm.s32 @p1 $0x1  }
0x15: {  	[smem:$0x3FBA] =	sst s0;
	s0 =	simm.s32 @!p2 $0x0  }
0x16: {  	s3 =	sld [smem:$0x3FDB];
	s0 =	simm.s32 @p2 $0x1  }
0x17: {  	s4 =	simm.s32 $0x1BF5;
	[smem:$0x3FBC] =	sst s0  }
0x18: {  	s0 =	sld [smem:$0x3F9F];
	_ =	swait.ge [sflag:s4], $0x0  }
0x19: {  	s7 =	sld [smem:$0x3FA0]  }
0x1a: {  	s8 =	sadd.s32 $0xFFFFE003, lr  }
0x1b: {  	s9 =	sadd.s32 $0xFFFFFEF7, lr;
	s5 =	simm.s32 $0xFFFFFFFF;
	p2 =	slt.u32 s8, $0xFFFFF086  }
0x1c: {  	p1 =	slt.u32 s9, $0xF7A;
	s5 =	simm.s32 @!p2 $0x0  }
0x1d: {  	s5 =	simm.s32 @p1 $0x1;
	p0 =	seq.s32 s7, s2  }
0x1e: {  	s7 =	smul.u32 @!p0 $0xF7A, s2;
	p2 =	seq.s32 @!p0 s5, $0x0  }
0x1f: {  	s9 =	smul.u32 $0xF7A, s1;
	s8 =	simm.s32 @!p0 $0x1BF5;
	p2 =	por !p2, p0  }
0x20: {  	[sflag:s8] =	ssyncset.s32 @!p0 $0xFFFFF086;
	s6 =	sadd.s32 @!p0 s3, s7;
	s7 =	simm.s32 @!p0 $0x108  }
0x21: {  	s3 =	sadd.s32 s3, s9;
	s6 =	sadd.s32 @!p0 $0x88, s6;
	s7 =	simm.s32 @p2 $0x1082  }
0x22: {  	[simem:s7], [sflag:s8] =	dma.local @!p0 [hbm:s6], $0xF7A  }
0x23: {  	s9 =	sor.u32 $0xD0000000, s2;
	s6 =	simm.s32 $0x108;
	_ =	swait.ge @!p0 [sflag:s8], $0x0  }
0x24: {  	s3 =	sadd.s32 $0x88, s3;
	s6 =	simm.s32 @!p1 $0x1082;
	[sflag:s4] =	ssyncset.s32 $0xFFFFF086  }
0x25: {  	[simem:s6], [sflag:s4] =	dma.local [hbm:s3], $0xF7A  }
0x26: {  	[smem:$0x3FA0] =	sst s1;
	(tag) =	ssettag s2;
	_ =	strace s9  }
0x27: {  	s1 =	sld [smem:$0x3FB0]  }
0x28: {  	s2 =	sld [smem:$0x3FB1]  }
0x29: {  	s4 =	sld [smem:$0x3FB3]  }
0x2a: {  	p0 =	seq.s32 s5, $0x0;
	s5 =	sld [smem:$0x3FB4]  }
0x2b: {  	s6 =	sld [smem:$0x3FB5]  }
0x2c: {  	s7 =	sld [smem:$0x3FB6]  }
0x2d: {  	s3 =	simm.s32 $0x108;
	s8 =	sld [smem:$0x3FB7]  }
0x2e: {  	s3 =	simm.s32 @!p0 $0x1082;
	s9 =	sld [smem:$0x3FB8]  }
0x2f: {  	lr =	sadd.s32 s0, s3;
	s0 =	sld [smem:$0x3FAF]  }
0x30: {  	s3 =	sld [smem:$0x3FB2]  }
0x31: {  	[smem:$0x3FBB] =	sst s10  }
0x32: {  	s10 =	sld [smem:$0x3FB9];
	_ =	sdelay $0x3  }
0x33: {  	p0 =	seq.s32 s10, $0x1;
	s10 =	sld [smem:$0x3FBB];
	_ =	sdelay $0x3  }
0x34: {  	[smem:$0x3FBB] =	sst s10  }
0x35: {  	s10 =	sld [smem:$0x3FBA];
	_ =	sdelay $0x3  }
0x36: {  	p1 =	seq.s32 s10, $0x1;
	s10 =	sld [smem:$0x3FBB];
	_ =	sdelay $0x3  }
0x37: {  	[smem:$0x3FBB] =	sst s10  }
0x38: {  	s10 =	sld [smem:$0x3FBC]  }
0x39: {  	_ = 	snop;
	(pc) =	sbr.ind lr, $3  }
0x3a: {  	_ = 	snop  }
0x3b: {  	_ = 	snop  }
0x3c: {  	p2 =	seq.s32 s10, $0x1;
	s10 =	sld [smem:$0x3FBB]  }
0x3d: {  	_ =	shalt  }
0x3e: {  	_ =	shalt  }
0x3f: {  	_ =	shalt  }
0x40: {  	_ =	shalt  }
0x41: {  	_ =	shalt  }
0x42: {  	_ =	shalt  }
0x43: {  	_ =	shalt  }
0x44: {  	_ =	shalt  }
0x45: {  	_ =	shalt  }
0x46: {  	_ =	shalt  }
0x47: {  	_ =	shalt  }
0x48: {  	_ =	shalt  }
0x49: {  	_ =	shalt  }
0x4a: {  	_ =	shalt  }
0x4b: {  	_ =	shalt  }
0x4c: {  	_ =	shalt  }
0x4d: {  	_ =	shalt  }
0x4e: {  	_ =	shalt  }
0x4f: {  	_ =	shalt  }
0x50: {  	_ =	shalt  }
0x51: {  	_ =	shalt  }
0x52: {  	_ =	shalt  }
0x53: {  	_ =	shalt  }
0x54: {  	_ =	shalt  }
0x55: {  	_ =	shalt  }
0x56: {  	_ =	shalt  }
0x57: {  	_ =	shalt  }
0x58: {  	_ =	shalt  }
0x59: {  	_ =	shalt  }
0x5a: {  	_ =	shalt  }
0x5b: {  	_ =	shalt  }
0x5c: {  	_ =	shalt  }
0x5d: {  	_ =	shalt  }
0x5e: {  	_ =	shalt  }
0x5f: {  	_ =	shalt  }
0x60: {  	_ =	shalt  }
0x61: {  	_ =	shalt  }
0x62: {  	_ =	shalt  }
0x63: {  	_ =	shalt  }
0x64: {  	_ =	shalt  }
0x65: {  	_ =	shalt  }
0x66: {  	_ =	shalt  }
0x67: {  	_ =	shalt  }
0x68: {  	_ =	shalt  }
0x69: {  	_ =	shalt  }
0x6a: {  	_ =	shalt  }
0x6b: {  	_ =	shalt  }
0x6c: {  	_ =	shalt  }
0x6d: {  	_ =	shalt  }
0x6e: {  	_ =	shalt  }
0x6f: {  	_ =	shalt  }
0x70: {  	_ =	shalt  }
0x71: {  	_ =	shalt  }
0x72: {  	_ =	shalt  }
0x73: {  	_ =	shalt  }
0x74: {  	_ =	shalt  }
0x75: {  	_ =	shalt  }
0x76: {  	_ =	shalt  }
0x77: {  	_ =	shalt  }
0x78: {  	_ =	shalt  }
0x79: {  	_ =	shalt  }
0x7a: {  	_ =	shalt  }
0x7b: {  	_ =	shalt  }
0x7c: {  	_ =	shalt  }
0x7d: {  	_ =	shalt  }
0x7e: {  	_ =	shalt  }
0x7f: {  	_ =	shalt  }
0x80: {  	_ =	shalt  }
0x81: {  	_ =	shalt  }
0x82: {  	_ =	shalt  }
0x83: {  	_ =	shalt  }
0x84: {  	_ =	shalt  }
0x85: {  	_ =	shalt  }
0x86: {  	_ =	shalt  }
0x87: {  	_ =	shalt  }
.Lfunc_end0:
.L_simem_size_0:
called_computation_lowered:
.L_overlay_start_0:
0x88: {  	s2 =	sld [smem:$0x3FD9]  }
0x89: {  	s3 =	sld [smem:$0x3FFE];
	_ =	sdelay $0x1  }
0x8a: {  	s1 =	srdreg.scid  }
0x8b: {  	s0 =	sand.u32 $0x1, s1  }
0x8c: {  	s17 =	sshll.u32 s0, $0xA;
	s2 =	sadd.s32 s3, s2  }
0x8d: {  	s2 =	sadd.s32 s2, s17  }
0x8e: {  	[smem:$0x3FC7] =	sst s2  }
0x8f: {  	_ = 	snop  }
0x90: {  	s2 =	sld [smem:$0x3FC9]  }
0x91: {  	s18 =	sld [smem:$0x3FD0];
	(tm) =	ssettm $0x1  }
0x92: {  	s4 =	sld [smem:$0x3FFB];
	_ =	sdelay $0x3  }
0x93: {  	_ =	strace s4  }
0x94: {  	s4 =	sld [smem:$0x3FFC];
	_ =	sdelay $0x3  }
0x95: {  	_ =	strace s4  }
0x96: {  	s4 =	sld [smem:$0x3FFD];
	_ =	sdelay $0x3  }
0x97: {  	_ =	strace s4  }
0x98: {  	_ =	strace $0x8FFFFFFF  }
0x99: {  	s19 =	sld [smem:$0x3FDB];
	_ =	sdelay $0x1  }
0x9a: {  	s5 =	simm.s32 $_scs_section_size  }
0x9b: {  	s6 =	simm.s32 $_size__tile_overlayer_lowered;
	s7 =	simm.s32 $_tile_overlayer_lowered  }
0x9c: {  	s22 =	simm.s32 $0x1BFF;
	s21 =	sshll.u32 s7, $0x1;
	s4 =	sadd.s32 s5, s19  }
0x9d: {  	s8 =	simm.s32 $0x0;
	s20 =	sshll.u32 s6, $0x1;
	s6 =	sadd.s32 s21, s4  }
0x9e: {  	[timem:s8], [sflag:s22] =	dma.local [hbm:s6], s20  }
0x9f: {  	_ =	swait.ge [sflag:s22], s20  }
0xa0: {  	s5 =	ssub.s32 $0x0, s20;
	[sflag:s22] =	ssyncset.done $0x0  }
0xa1: {  	[sflag:s22] =	ssyncadd.s32 s5;
	_ =	sdelay $0x1  }
0xa2: {  	s23 =	simm.s32 $0x1B8B  }
0xa3: {  	_ =	swait.ge [sflag:s23], $0x1  }
0xa4: {  	[sflag:s23] =	ssyncset.done $0x0  }
0xa5: {  	s25 =	simm.s32 $0x1B8E;
	s24 =	sld [smem:$0x3FFE];
	[sflag:s23] =	ssyncadd.s32 $0xFFFFFFFF  }
0xa6: {  	s26 =	simm.s32 $execute0_lowered;
	[smem:$0x3FD2] =	sst s25  }
0xa7: {  	s6 =	sshll.u32 s26, $0x1;
	_ =	strace $0x80000046;
	[dreg:$0x1] =	wrdreg $0xFFFFFFFF  }
0xa8: {  	s28 =	simm.s32 $_size_execute0_lowered;
	s4 =	sadd.s32 s4, s6;
	[dreg:$0x0] =	wrdreg $0x0  }
0xa9: {  	s6 =	sshll.u32 s28, $0x1;
	[dreg:$0x2] =	wrdreg s4  }
0xaa: {  	[dreg:$0x3] =	wrdreg s6  }
0xab: {  	[dreg:$0x4] =	wrdreg $0xC0  }
0xac: {  	_ =	task [dreg:s8], $0x5FFFF  }
0xad: {  	[dreg:$0x1] =	wrdreg $0xFFFFFFFF  }
0xae: {  	[dreg:$0x0] =	wrdreg $0x60  }
0xaf: {  	[dreg:$0x2] =	wrdreg s2  }
0xb0: {  	[dreg:$0x3] =	wrdreg s24  }
0xb1: {  	[dreg:$0x4] =	wrdreg s18  }
0xb2: {  	[dreg:$0x5] =	wrdreg $0x9  }
0xb3: {  	_ =	task.clear_ibuf [dreg:s8], $0x6FFFF;
	_ =	strace $0x90000046  }
0xb4: {  	s29 =	simm.s32 $0x9;
	_ =	strace $0x80000048  }
0xb5: {  	_ =	swait.ge [sflag:s29], $0x1  }
0xb6: {  	[sflag:s29] =	ssyncadd.s32 $0xFFFFFFFF  }
0xb7: {  	_ =	strace $0x90000048  }
0xb8: {  	_ =	sfence  }
0xb9: {  	s30 =	sld [smem:$0x0];
	_ =	sdelay $0x2  }
0xba: {  	s31 =	sshll.u32 s1, $0xD;
	s1 =	sshrl.u32 s1, $0x2  }
0xbb: {  	s3 =	sand.u32 $0x4000, s31;
	s1 =	sadd.s32 s1, s30  }
0xbc: {  	s0 =	sor.u32 s3, s0;
	s1 =	sshll.u32 s1, $0x11  }
0xbd: {  	s0 =	sor.u32 s1, s0  }
0xbe: {  	s0 =	sadd.s32 $0x8F2B, s0  }
0xbf: {  	[sflag:s0] =	ssyncadd.remote.s32 $0x1  }
0xc0: {  	_ =	sfence.sel $0xFFFF  }
0xc1: {  	[dreg:$0x0] =	wrdreg $0xFFFFFFFF;
	(pc) =	sbr.abs _section_cstart, $3  }
0xc2: {  	[dreg:$0x1] =	wrdreg $0xFFFFFFFF  }
0xc3: {  	_ =	task.clear_ibuf [dreg:s8], $0x2FFFF;
	_ =	strace $0x9FFFFFFF  }
0xc4: {  	(tm) =	ssettm $0x7FFFFFFF  }
0xc5: {  	_ =	shalt  }
tec
execute0_lowered:
.L_overlay_start_1:
0x0: {  	(tag) =	ssettag $0x1  }
0x1: {  	s0 =	srdreg.scid;
	s1 =	stileid.u32  }
0x2: {  	s2 =	sand.u32 $0x1, s0;
	s3 =	smul.u32 $0x36, s1  }
0x3: {  	s24 =	sshll.u32 s1, $0x1;
	s4 =	smul.u32 $0x1B, s2  }
0x4: {  	s5 =	rddreg [dreg:$0x1];
	s0 =	sor.u32 s2, s24  }
0x5: {  	s25 =	rddreg [dreg:$0x2];
	s6 =	smin.u32 s0, $0x1E;
	s3 =	sadd.s32 s4, s3  }
0x6: {  	s1 =	rddreg [dreg:$0x0];
	s7 =	ssub.s32 s3, s6;
	s3 =	simm.s32 $0x0  }
0x7: {  	s26 =	simm.s32 $0x10500;
	[smem:$0x7FF] =	sst s3  }
0x8: {  	s9 =	simm.s32 $0x10D00;
	_ =	strace $0x80000047;
	[dreg:$0x5] =	wrdreg s26  }
0x9: {  	s10 =	simm.s32 $0x11500;
	s11 =	simm.s32 $0x11D00;
	[dreg:$0x6] =	wrdreg s9  }
0xa: {  	s12 =	simm.s32 $0x12500;
	s13 =	simm.s32 $0x12D00;
	[dreg:$0x7] =	wrdreg s10  }
0xb: {  	s15 =	simm.s32 $0x13500;
	s16 =	simm.s32 $0x13D00;
	[dreg:$0x8] =	wrdreg s11  }
0xc: {  	s17 =	simm.s32 $0x14500;
	s18 =	simm.s32 $0x14D00;
	[dreg:$0x9] =	wrdreg s12  }
0xd: {  	s19 =	simm.s32 $0x15500;
	s20 =	simm.s32 $0x15D00;
	[dreg:$0xa] =	wrdreg s13  }
0xe: {  	s21 =	simm.s32 $0x16500;
	s22 =	simm.s32 $0x16D00;
	[dreg:$0xb] =	wrdreg s15  }
0xf: {  	s23 =	simm.s32 $0x17500;
	s28 =	simm.s32 $0x5D00;
	[dreg:$0xc] =	wrdreg s16  }
0x10: {  	s29 =	simm.s32 $0x6500;
	s30 =	simm.s32 $0x6D00;
	[dreg:$0xd] =	wrdreg s17  }
0x11: {  	s31 =	simm.s32 $0x7500;
	s2 =	ssub.s32 $0x2, s2;
	[dreg:$0xe] =	wrdreg s18  }
0x12: {  	s24 =	simm.s32 $0x17D00;
	s8 =	smul.u32 $0x1B, s0;
	[dreg:$0xf] =	wrdreg s19  }
0x13: {  	s14 =	sshrl.u32 s2, $0x1;
	p0 =	sne.s32 s0, $0x1F;
	[dreg:$0x10] =	wrdreg s20  }
0x14: {  	s0 =	simm.s32 $0x8500;
	s4 =	sadd.s32 $0x619E00, s25;
	[dreg:$0x11] =	wrdreg s21  }
0x15: {  	s2 =	ssub.s32 s2, s14;
	s6 =	ssub.s32 s8, s6;
	[smem:$0x7F9] =	sst s4  }
0x16: {  	s2 =	smax.u32 s2, $0x1;
	s7 =	smul.u32 $0x1E00, s7;
	[dreg:$0x12] =	wrdreg s22  }
0x17: {  	s14 =	simm.s32 $0x1CD00;
	s8 =	smul.u32 $0x78, s6;
	[smem:$0x7FA] =	sst s2  }
0x18: {  	s6 =	smul.u32 $0xF000, s6;
	[dreg:$0x13] =	wrdreg s23;
	s9 =	simm.s32 $0x3  }
0x19: {  	[dreg:$0x14] =	wrdreg s24;
	s10 =	simm.s32 $0xD00;
	s26 =	simm.s32 $0x18D00  }
0x1a: {  	s20 =	simm.s32 $0x1500;
	s4 =	simm.s32 $0x19500;
	s18 =	simm.s32 $0x1D00  }
0x1b: {  	s19 =	simm.s32 $0x2500;
	s21 =	simm.s32 $0x2D00;
	[dreg:$0x1e] =	wrdreg s14  }
0x1c: {  	s22 =	simm.s32 $0x3500;
	s11 =	simm.s32 $0x1B500;
	[dreg:$0x16] =	wrdreg s26  }
0x1d: {  	s23 =	simm.s32 $0x3D00;
	s12 =	simm.s32 $0x1BD00;
	[dreg:$0x17] =	wrdreg s4  }
0x1e: {  	s24 =	simm.s32 $0x4500;
	s13 =	simm.s32 $0x1C500;
	[dreg:$0x1b] =	wrdreg s11  }
0x1f: {  	s15 =	simm.s32 $0x1D500;
	s16 =	simm.s32 $0x1DD00;
	[dreg:$0x1c] =	wrdreg s12  }
0x20: {  	s17 =	simm.s32 $0x1E500;
	s2 =	simm.s32 $0x7D00;
	[dreg:$0x1d] =	wrdreg s13  }
0x21: {  	s14 =	simm.s32 $0xFD00;
	s7 =	sadd.s32 s7, s25;
	[dreg:$0x1f] =	wrdreg s15  }
0x22: {  	s8 =	sshrl.u32 s8, $0x3;
	s6 =	sadd.s32 $0x186000, s6;
	[smem:$0x7FB] =	sst s16  }
0x23: {  	s26 =	simm.s32 $0x5500;
	[smem:$0x7FC] =	sst s17;
	s4 =	simm.s32 $0x8D00  }
0x24: {  	s11 =	simm.s32 $0xAD00;
	s12 =	simm.s32 $0xB500;
	s13 =	simm.s32 $0xBD00  }
0x25: {  	s15 =	simm.s32 $0x1;
	s17 =	simm.s32 $0x0;
	[dreg:$0x4] =	wrdreg s7  }
0x26: {  	s16 =	simm.s32 $0x2;
	s7 =	simm.s32 $0x1A500;
	[smem:$0x7FD] =	sst s17  }
0x27: {  	s5 =	sadd.s32 s8, s5;
	s8 =	simm.s32 $0x1AD00;
	[dreg:$0x19] =	wrdreg s7  }
0x28: {  	s6 =	sshrl.u32 s6, $0x3;
	s5 =	sadd.s32 $0x400, s5;
	[dreg:$0x1a] =	wrdreg s8  }
0x29: {  	s6 =	sadd.s32 s25, s6;
	s25 =	simm.s32 $0x18500;
	[smem:$0x7F7] =	sst s5  }
0x2a: {  	v2 =	vlaneseq.u32;
	s7 =	simm.s32 $0x9D00;
	s8 =	simm.s32 $0xA500;
	[smem:$0x7F8] =	sst s6  }
0x2b: {  	vm0 =	vmmov $0xffff;
	v1 =	vshrl.u32 v2, $0x3;
	s5 =	sadd.s32 $0x100, s1;
	[dreg:$0x15] =	wrdreg s25;
	s6 =	simm.s32 $0x19D00  }
0x2c: {  	v0 =	vand.u32 $0x7, v2;
	v2 =	vor.u32 $0x8, v2;
	v1 =	vmul.u32 $0x8, v1;
	s25 =	simm.s32 $0x4D00;
	[dreg:$0x18] =	wrdreg s6;
	s6 =	simm.s32 $0x9500  }
.LBB2_1:
0x2d: {  	s17 =	sld [smem:$0x7F7];
	_ =	sdelay $0x2  }
0x2e: {  	[tilespmem:s3], [sflag:$0x3] =	stream.linear.gather [hbm4b:s17+s3], $0xCA8, $0x38;
	[tilespmem:$0x1ED00] =	vst v63  }
0x2f: {  	_ =	swait.ge [sflag:s9], $0xCA8  }
0x30: {  	[sflag:s9] =	ssyncset.done $0x0  }
0x31: {  	[sflag:s9] =	ssyncadd.s32 $0xFFFFF358  }
0x32: {  	v3 =	vld [tilespmem:$0x0];
	_ =	sdelay $0x4  }
0x33: {  	v4 =	vshll.u32 v3, $0x2  }
0x34: {  	v3 =	vand.u32 $0x7, v3;
	v4 =	vand.u32 $0xFFFFFFE0, v4  }
0x35: {  	v3 =	vor.u32 v3, v4  }
0x36: {  	v4 =	vperm.xlane v3, v0;
	_ =	sdelay $0x1  }
0x37: {  	v4 =	vadd.s32 v1, v4;
	_ =	sdelay $0x1  }
0x38: {  	v3 =	vperm.xlane v3, v2;
	_ =	sdelay $0x1  }
0x39: {  	v3 =	vadd.s32 v1, v3  }
0x3a: {  	[tilespmem:s10], [sflag:$0x1] =	stream.indirect_vreg.gather [hbm4b:s1+s3], $0x80, v4, vm0, $0xb8;
	[tilespmem:$0x1ED00] =	vst v63  }
0x3b: {  	_ = 	snop  }
0x3c: {  	[tilespmem:s20], [sflag:$0x1] =	stream.indirect_vreg.gather [hbm4b:s5+s3], $0x80, v4, vm0, $0xb8;
	[tilespmem:$0x1ED00] =	vst v63  }
0x3d: {  	_ = 	snop  }
0x3e: {  	[tilespmem:s18], [sflag:$0x1] =	stream.indirect_vreg.gather [hbm4b:s1+s3], $0x80, v3, vm0, $0xb8;
	[tilespmem:$0x1ED00] =	vst v63  }
0x3f: {  	_ = 	snop  }
0x40: {  	[tilespmem:s19], [sflag:$0x1] =	stream.indirect_vreg.gather [hbm4b:s5+s3], $0x80, v3, vm0, $0xb8;
	[tilespmem:$0x1ED00] =	vst v63  }
0x41: {  	v3 =	vld [tilespmem:$0x10];
	_ =	sdelay $0x4  }
0x42: {  	v57 =	vshll.u32 v3, $0x2  }
0x43: {  	v3 =	vand.u32 $0x7, v3;
	v4 =	vand.u32 $0xFFFFFFE0, v57  }
0x44: {  	v3 =	vor.u32 v3, v4  }
0x45: {  	v4 =	vperm.xlane v3, v0;
	_ =	sdelay $0x1  }
0x46: {  	v4 =	vadd.s32 v1, v4;
	_ =	sdelay $0x1  }
0x47: {  	v3 =	vperm.xlane v3, v2;
	_ =	sdelay $0x1  }
0x48: {  	v3 =	vadd.s32 v1, v3  }
0x49: {  	[tilespmem:s21], [sflag:$0x1] =	stream.indirect_vreg.gather [hbm4b:s1+s3], $0x80, v4, vm0, $0xb8;
	[tilespmem:$0x1ED00] =	vst v63  }
0x4a: {  	_ = 	snop  }
0x4b: {  	[tilespmem:s22], [sflag:$0x1] =	stream.indirect_vreg.gather [hbm4b:s5+s3], $0x80, v4, vm0, $0xb8;
	[tilespmem:$0x1ED00] =	vst v63  }
0x4c: {  	_ = 	snop  }
0x4d: {  	[tilespmem:s23], [sflag:$0x1] =	stream.indirect_vreg.gather [hbm4b:s1+s3], $0x80, v3, vm0, $0xb8;
	[tilespmem:$0x1ED00] =	vst v63  }
0x4e: {  	_ = 	snop  }
0x4f: {  	[tilespmem:s24], [sflag:$0x1] =	stream.indirect_vreg.gather [hbm4b:s5+s3], $0x80, v3, vm0, $0xb8;
	[tilespmem:$0x1ED00] =	vst v63  }
0x50: {  	v3 =	vld [tilespmem:$0x20];
	_ =	sdelay $0x4  }
0x51: {  	v58 =	vshll.u32 v3, $0x2  }
0x52: {  	v3 =	vand.u32 $0x7, v3;
	v4 =	vand.u32 $0xFFFFFFE0, v58  }
0x53: {  	v3 =	vor.u32 v3, v4  }
0x54: {  	v4 =	vperm.xlane v3, v0;
	_ =	sdelay $0x1  }
0x55: {  	v4 =	vadd.s32 v1, v4;
	_ =	sdelay $0x1  }
0x56: {  	v3 =	vperm.xlane v3, v2;
	_ =	sdelay $0x1  }
0x57: {  	v3 =	vadd.s32 v1, v3  }
0x58: {  	[tilespmem:s25], [sflag:$0x1] =	stream.indirect_vreg.gather [hbm4b:s1+s3], $0x80, v4, vm0, $0xb8;
	[tilespmem:$0x1ED00] =	vst v63  }
0x59: {  	_ = 	snop  }
0x5a: {  	[tilespmem:s26], [sflag:$0x1] =	stream.indirect_vreg.gather [hbm4b:s5+s3], $0x80, v4, vm0, $0xb8;
	[tilespmem:$0x1ED00] =	vst v63  }
0x5b: {  	_ = 	snop  }
0x5c: {  	[tilespmem:s28], [sflag:$0x1] =	stream.indirect_vreg.gather [hbm4b:s1+s3], $0x80, v3, vm0, $0xb8;
	[tilespmem:$0x1ED00] =	vst v63  }
0x5d: {  	_ = 	snop  }
0x5e: {  	[tilespmem:s29], [sflag:$0x1] =	stream.indirect_vreg.gather [hbm4b:s5+s3], $0x80, v3, vm0, $0xb8;
	[tilespmem:$0x1ED00] =	vst v63  }
0x5f: {  	v3 =	vld [tilespmem:$0x30];
	_ =	sdelay $0x4  }
0x60: {  	v59 =	vshll.u32 v3, $0x2  }
0x61: {  	v3 =	vand.u32 $0x7, v3;
	v4 =	vand.u32 $0xFFFFFFE0, v59  }
0x62: {  	v3 =	vor.u32 v3, v4  }
0x63: {  	v4 =	vperm.xlane v3, v0;
	_ =	sdelay $0x1  }
0x64: {  	v4 =	vadd.s32 v1, v4;
	_ =	sdelay $0x1  }
0x65: {  	v3 =	vperm.xlane v3, v2;
	_ =	sdelay $0x1  }
0x66: {  	v3 =	vadd.s32 v1, v3  }
0x67: {  	[tilespmem:s30], [sflag:$0x1] =	stream.indirect_vreg.gather [hbm4b:s1+s3], $0x80, v4, vm0, $0xb8;
	[tilespmem:$0x1ED00] =	vst v63  }
0x68: {  	_ = 	snop  }
0x69: {  	[tilespmem:s31], [sflag:$0x1] =	stream.indirect_vreg.gather [hbm4b:s5+s3], $0x80, v4, vm0, $0xb8;
	[tilespmem:$0x1ED00] =	vst v63  }
0x6a: {  	_ = 	snop  }
0x6b: {  	[tilespmem:s2], [sflag:$0x1] =	stream.indirect_vreg.gather [hbm4b:s1+s3], $0x80, v3, vm0, $0xb8;
	[tilespmem:$0x1ED00] =	vst v63  }
0x6c: {  	_ = 	snop  }
0x6d: {  	[tilespmem:s0], [sflag:$0x1] =	stream.indirect_vreg.gather [hbm4b:s5+s3], $0x80, v3, vm0, $0xb8;
	[tilespmem:$0x1ED00] =	vst v63  }
0x6e: {  	v3 =	vld [tilespmem:$0x40];
	_ =	sdelay $0x4  }
0x6f: {  	v60 =	vshll.u32 v3, $0x2  }
0x70: {  	v3 =	vand.u32 $0x7, v3;
	v4 =	vand.u32 $0xFFFFFFE0, v60  }
0x71: {  	v3 =	vor.u32 v3, v4  }
0x72: {  	v4 =	vperm.xlane v3, v0;
	_ =	sdelay $0x1  }
0x73: {  	v4 =	vadd.s32 v1, v4;
	_ =	sdelay $0x1  }
0x74: {  	v3 =	vperm.xlane v3, v2;
	_ =	sdelay $0x1  }
0x75: {  	v3 =	vadd.s32 v1, v3  }
0x76: {  	[tilespmem:s4], [sflag:$0x1] =	stream.indirect_vreg.gather [hbm4b:s1+s3], $0x80, v4, vm0, $0xb8;
	[tilespmem:$0x1ED00] =	vst v63  }
0x77: {  	_ = 	snop  }
0x78: {  	[tilespmem:s6], [sflag:$0x1] =	stream.indirect_vreg.gather [hbm4b:s5+s3], $0x80, v4, vm0, $0xb8;
	[tilespmem:$0x1ED00] =	vst v63  }
0x79: {  	_ = 	snop  }
0x7a: {  	[tilespmem:s7], [sflag:$0x1] =	stream.indirect_vreg.gather [hbm4b:s1+s3], $0x80, v3, vm0, $0xb8;
	[tilespmem:$0x1ED00] =	vst v63  }
0x7b: {  	_ = 	snop  }
0x7c: {  	[tilespmem:s8], [sflag:$0x1] =	stream.indirect_vreg.gather [hbm4b:s5+s3], $0x80, v3, vm0, $0xb8;
	[tilespmem:$0x1ED00] =	vst v63  }
0x7d: {  	v3 =	vld [tilespmem:$0x50];
	_ =	sdelay $0x4  }
0x7e: {  	v61 =	vshll.u32 v3, $0x2  }
0x7f: {  	v3 =	vand.u32 $0x7, v3;
	v4 =	vand.u32 $0xFFFFFFE0, v61  }
0x80: {  	v3 =	vor.u32 v3, v4  }
0x81: {  	v4 =	vperm.xlane v3, v0;
	_ =	sdelay $0x1  }
0x82: {  	v4 =	vadd.s32 v1, v4;
	_ =	sdelay $0x1  }
0x83: {  	v3 =	vperm.xlane v3, v2;
	_ =	sdelay $0x1  }
0x84: {  	v3 =	vadd.s32 v1, v3  }
0x85: {  	[tilespmem:s11], [sflag:$0x1] =	stream.indirect_vreg.gather [hbm4b:s1+s3], $0x80, v4, vm0, $0xb8;
	[tilespmem:$0x1ED00] =	vst v63  }
0x86: {  	_ = 	snop  }
0x87: {  	[tilespmem:s12], [sflag:$0x1] =	stream.indirect_vreg.gather [hbm4b:s5+s3], $0x80, v4, vm0, $0xb8;
	[tilespmem:$0x1ED00] =	vst v63  }
0x88: {  	_ = 	snop  }
0x89: {  	[tilespmem:s13], [sflag:$0x1] =	stream.indirect_vreg.gather [hbm4b:s1+s3], $0x80, v3, vm0, $0xb8;
	[tilespmem:$0x1ED00] =	vst v63  }
0x8a: {  	s23 =	simm.s32 $0xC500  }
0x8b: {  	[tilespmem:s23], [sflag:$0x1] =	stream.indirect_vreg.gather [hbm4b:s5+s3], $0x80, v3, vm0, $0xb8;
	[tilespmem:$0x1ED00] =	vst v63  }
0x8c: {  	v3 =	vld [tilespmem:$0x60];
	_ =	sdelay $0x4  }
0x8d: {  	v62 =	vshll.u32 v3, $0x2  }
0x8e: {  	v3 =	vand.u32 $0x7, v3;
	v4 =	vand.u32 $0xFFFFFFE0, v62  }
0x8f: {  	v3 =	vor.u32 v3, v4  }
0x90: {  	v4 =	vperm.xlane v3, v0;
	_ =	sdelay $0x1  }
0x91: {  	v4 =	vadd.s32 v1, v4;
	_ =	sdelay $0x1  }
0x92: {  	v3 =	vperm.xlane v3, v2;
	_ =	sdelay $0x1  }
0x93: {  	s24 =	simm.s32 $0xCD00;
	v3 =	vadd.s32 v1, v3  }
0x94: {  	[tilespmem:s24], [sflag:$0x1] =	stream.indirect_vreg.gather [hbm4b:s1+s3], $0x80, v4, vm0, $0xb8;
	[tilespmem:$0x1ED00] =	vst v63  }
0x95: {  	s25 =	simm.s32 $0xD500  }
0x96: {  	[tilespmem:s25], [sflag:$0x1] =	stream.indirect_vreg.gather [hbm4b:s5+s3], $0x80, v4, vm0, $0xb8;
	[tilespmem:$0x1ED00] =	vst v63  }
0x97: {  	s26 =	simm.s32 $0xDD00  }
0x98: {  	[tilespmem:s26], [sflag:$0x1] =	stream.indirect_vreg.gather [hbm4b:s1+s3], $0x80, v3, vm0, $0xb8;
	[tilespmem:$0x1ED00] =	vst v63  }
0x99: {  	s28 =	simm.s32 $0xE500  }
0x9a: {  	[tilespmem:s28], [sflag:$0x1] =	stream.indirect_vreg.gather [hbm4b:s5+s3], $0x80, v3, vm0, $0xb8;
	[tilespmem:$0x1ED00] =	vst v63  }
0x9b: {  	v3 =	vld.msk [tilespmem:$0x70], $0xff;
	_ =	sdelay $0x4  }
0x9c: {  	v63 =	vshll.u32 v3, $0x2  }
0x9d: {  	v3 =	vand.u32 $0x7, v3;
	v4 =	vand.u32 $0xFFFFFFE0, v63  }
0x9e: {  	v3 =	vor.u32 v3, v4  }
0x9f: {  	v3 =	vperm.xlane v3, v0  }
0xa0: {  	s17 =	simm.s32 $0xB8;
	s18 =	simm.s32 $0x0  }
0xa1: {  	s21 =	simm.s32 $0x1D00;
	s22 =	simm.s32 $0x2500;
	s29 =	simm.s32 $0x5500;
	v3 =	vadd.s32 v1, v3  }
0xa2: {  	s30 =	simm.s32 $0x5D00;
	s31 =	simm.s32 $0x6500;
	s2 =	simm.s32 $0xB500  }
0xa3: {  	s0 =	simm.s32 $0x7500;
	s4 =	simm.s32 $0x7D00;
	s6 =	simm.s32 $0x8500  }
0xa4: {  	s7 =	simm.s32 $0xBD00;
	s8 =	simm.s32 $0x9500;
	s11 =	simm.s32 $0x9D00  }
0xa5: {  	s12 =	simm.s32 $0xA500;
	s13 =	simm.s32 $0xED00;
	s23 =	simm.s32 $0xF500  }
0xa6: {  	[tilespmem:s13], [sflag:$0x1] =	stream.indirect_vreg.gather [hbm4b:s1+s3], $0x80, v3, vm0, $0xb8;
	[tilespmem:$0x1ED00] =	vst v63  }
0xa7: {  	s24 =	simm.s32 $0x3500;
	s25 =	simm.s32 $0x3D00;
	s26 =	simm.s32 $0x4500  }
0xa8: {  	[tilespmem:s23], [sflag:$0x1] =	stream.indirect_vreg.gather [hbm4b:s5+s3], $0x80, v3, vm0, $0xb8;
	[tilespmem:$0x1ED00] =	vst v63  }
.LBB2_2:
0xa9: {  	v3 =	vld [tilespmem:s17+$0xFFFFFFC0];
	_ =	sdelay $0x4  }
0xaa: {  	v4 =	vshll.u32 v3, $0x2  }
0xab: {  	v3 =	vand.u32 $0x7, v3;
	v4 =	vand.u32 $0xFFFFFFE0, v4  }
0xac: {  	v3 =	vor.u32 v3, v4  }
0xad: {  	v4 =	vperm.xlane v3, v0;
	_ =	sdelay $0x1  }
0xae: {  	v4 =	vadd.s32 v1, v4;
	_ =	sdelay $0x1  }
0xaf: {  	v3 =	vperm.xlane v3, v2;
	_ =	sdelay $0x1  }
0xb0: {  	v3 =	vadd.s32 v1, v3  }
0xb1: {  	[tilespmem:s14], [sflag:$0x2] =	stream.indirect_vreg.gather [hbm4b:s1+s3], $0x80, v4, vm0, $0xb8;
	[tilespmem:$0x1ED00] =	vst v63  }
0xb2: {  	s19 =	rddreg [dreg:$0x5]  }
0xb3: {  	[tilespmem:s19], [sflag:$0x2] =	stream.indirect_vreg.gather [hbm4b:s5+s3], $0x80, v4, vm0, $0xb8;
	[tilespmem:$0x1ED00] =	vst v63  }
0xb4: {  	s20 =	rddreg [dreg:$0x6]  }
0xb5: {  	[tilespmem:s20], [sflag:$0x2] =	stream.indirect_vreg.gather [hbm4b:s1+s3], $0x80, v3, vm0, $0xb8;
	[tilespmem:$0x1ED00] =	vst v63  }
0xb6: {  	s28 =	rddreg [dreg:$0x7]  }
0xb7: {  	[tilespmem:s28], [sflag:$0x2] =	stream.indirect_vreg.gather [hbm4b:s5+s3], $0x80, v3, vm0, $0xb8;
	[tilespmem:$0x1ED00] =	vst v63  }
0xb8: {  	v3 =	vld [tilespmem:s17+$0xFFFFFFD0];
	_ =	sdelay $0x4  }
0xb9: {  	v49 =	vshll.u32 v3, $0x2  }
0xba: {  	v3 =	vand.u32 $0x7, v3;
	v4 =	vand.u32 $0xFFFFFFE0, v49  }
0xbb: {  	v3 =	vor.u32 v3, v4  }
0xbc: {  	v4 =	vperm.xlane v3, v0;
	_ =	sdelay $0x1  }
0xbd: {  	v4 =	vadd.s32 v1, v4;
	_ =	sdelay $0x1  }
0xbe: {  	v3 =	vperm.xlane v3, v2;
	_ =	sdelay $0x1  }
0xbf: {  	s20 =	rddreg [dreg:$0x8];
	v3 =	vadd.s32 v1, v3  }
0xc0: {  	[tilespmem:s20], [sflag:$0x2] =	stream.indirect_vreg.gather [hbm4b:s1+s3], $0x80, v4, vm0, $0xb8;
	[tilespmem:$0x1ED00] =	vst v63  }
0xc1: {  	s28 =	rddreg [dreg:$0x9]  }
0xc2: {  	[tilespmem:s28], [sflag:$0x2] =	stream.indirect_vreg.gather [hbm4b:s5+s3], $0x80, v4, vm0, $0xb8;
	[tilespmem:$0x1ED00] =	vst v63  }
0xc3: {  	s19 =	rddreg [dreg:$0xa]  }
0xc4: {  	[tilespmem:s19], [sflag:$0x2] =	stream.indirect_vreg.gather [hbm4b:s1+s3], $0x80, v3, vm0, $0xb8;
	[tilespmem:$0x1ED00] =	vst v63  }
0xc5: {  	s28 =	rddreg [dreg:$0xb]  }
0xc6: {  	[tilespmem:s28], [sflag:$0x2] =	stream.indirect_vreg.gather [hbm4b:s5+s3], $0x80, v3, vm0, $0xb8;
	[tilespmem:$0x1ED00] =	vst v63  }
0xc7: {  	v3 =	vld [tilespmem:s17+$0xFFFFFFE0];
	_ =	sdelay $0x4  }
0xc8: {  	v50 =	vshll.u32 v3, $0x2  }
0xc9: {  	v3 =	vand.u32 $0x7, v3;
	v4 =	vand.u32 $0xFFFFFFE0, v50  }
0xca: {  	v3 =	vor.u32 v3, v4  }
0xcb: {  	v4 =	vperm.xlane v3, v0;
	_ =	sdelay $0x1  }
0xcc: {  	v4 =	vadd.s32 v1, v4;
	_ =	sdelay $0x1  }
0xcd: {  	v3 =	vperm.xlane v3, v2;
	_ =	sdelay $0x1  }
0xce: {  	s20 =	rddreg [dreg:$0xc];
	v3 =	vadd.s32 v1, v3  }
0xcf: {  	[tilespmem:s20], [sflag:$0x2] =	stream.indirect_vreg.gather [hbm4b:s1+s3], $0x80, v4, vm0, $0xb8;
	[tilespmem:$0x1ED00] =	vst v63  }
0xd0: {  	s28 =	rddreg [dreg:$0xd]  }
0xd1: {  	[tilespmem:s28], [sflag:$0x2] =	stream.indirect_vreg.gather [hbm4b:s5+s3], $0x80, v4, vm0, $0xb8;
	[tilespmem:$0x1ED00] =	vst v63  }
0xd2: {  	s19 =	rddreg [dreg:$0xe]  }
0xd3: {  	[tilespmem:s19], [sflag:$0x2] =	stream.indirect_vreg.gather [hbm4b:s1+s3], $0x80, v3, vm0, $0xb8;
	[tilespmem:$0x1ED00] =	vst v63  }
0xd4: {  	s28 =	rddreg [dreg:$0xf]  }
0xd5: {  	[tilespmem:s28], [sflag:$0x2] =	stream.indirect_vreg.gather [hbm4b:s5+s3], $0x80, v3, vm0, $0xb8;
	[tilespmem:$0x1ED00] =	vst v63  }
0xd6: {  	v3 =	vld [tilespmem:s17+$0xFFFFFFF0];
	_ =	sdelay $0x4  }
0xd7: {  	v51 =	vshll.u32 v3, $0x2  }
0xd8: {  	v3 =	vand.u32 $0x7, v3;
	v4 =	vand.u32 $0xFFFFFFE0, v51  }
0xd9: {  	v3 =	vor.u32 v3, v4  }
0xda: {  	v4 =	vperm.xlane v3, v0;
	_ =	sdelay $0x1  }
0xdb: {  	v4 =	vadd.s32 v1, v4;
	_ =	sdelay $0x1  }
0xdc: {  	v3 =	vperm.xlane v3, v2;
	_ =	sdelay $0x1  }
0xdd: {  	s20 =	rddreg [dreg:$0x10];
	v3 =	vadd.s32 v1, v3  }
0xde: {  	[tilespmem:s20], [sflag:$0x2] =	stream.indirect_vreg.gather [hbm4b:s1+s3], $0x80, v4, vm0, $0xb8;
	[tilespmem:$0x1ED00] =	vst v63  }
0xdf: {  	s28 =	rddreg [dreg:$0x11]  }
0xe0: {  	[tilespmem:s28], [sflag:$0x2] =	stream.indirect_vreg.gather [hbm4b:s5+s3], $0x80, v4, vm0, $0xb8;
	[tilespmem:$0x1ED00] =	vst v63  }
0xe1: {  	s19 =	rddreg [dreg:$0x12]  }
0xe2: {  	[tilespmem:s19], [sflag:$0x2] =	stream.indirect_vreg.gather [hbm4b:s1+s3], $0x80, v3, vm0, $0xb8;
	[tilespmem:$0x1ED00] =	vst v63  }
0xe3: {  	s28 =	rddreg [dreg:$0x13]  }
0xe4: {  	[tilespmem:s28], [sflag:$0x2] =	stream.indirect_vreg.gather [hbm4b:s5+s3], $0x80, v3, vm0, $0xb8;
	[tilespmem:$0x1ED00] =	vst v63  }
0xe5: {  	v3 =	vld [tilespmem:s17+$0x0];
	_ =	sdelay $0x4  }
0xe6: {  	v52 =	vshll.u32 v3, $0x2  }
0xe7: {  	v3 =	vand.u32 $0x7, v3;
	v4 =	vand.u32 $0xFFFFFFE0, v52  }
0xe8: {  	v3 =	vor.u32 v3, v4  }
0xe9: {  	v4 =	vperm.xlane v3, v0;
	_ =	sdelay $0x1  }
0xea: {  	v4 =	vadd.s32 v1, v4;
	_ =	sdelay $0x1  }
0xeb: {  	v3 =	vperm.xlane v3, v2;
	_ =	sdelay $0x1  }
0xec: {  	s20 =	rddreg [dreg:$0x14];
	v3 =	vadd.s32 v1, v3  }
0xed: {  	[tilespmem:s20], [sflag:$0x2] =	stream.indirect_vreg.gather [hbm4b:s1+s3], $0x80, v4, vm0, $0xb8;
	[tilespmem:$0x1ED00] =	vst v63  }
0xee: {  	s28 =	rddreg [dreg:$0x15]  }
0xef: {  	[tilespmem:s28], [sflag:$0x2] =	stream.indirect_vreg.gather [hbm4b:s5+s3], $0x80, v4, vm0, $0xb8;
	[tilespmem:$0x1ED00] =	vst v63  }
0xf0: {  	s19 =	rddreg [dreg:$0x16]  }
0xf1: {  	[tilespmem:s19], [sflag:$0x2] =	stream.indirect_vreg.gather [hbm4b:s1+s3], $0x80, v3, vm0, $0xb8;
	[tilespmem:$0x1ED00] =	vst v63  }
0xf2: {  	s28 =	rddreg [dreg:$0x17]  }
0xf3: {  	[tilespmem:s28], [sflag:$0x2] =	stream.indirect_vreg.gather [hbm4b:s5+s3], $0x80, v3, vm0, $0xb8;
	[tilespmem:$0x1ED00] =	vst v63  }
0xf4: {  	v3 =	vld [tilespmem:s17+$0x10];
	_ =	sdelay $0x4  }
0xf5: {  	v53 =	vshll.u32 v3, $0x2  }
0xf6: {  	v3 =	vand.u32 $0x7, v3;
	v4 =	vand.u32 $0xFFFFFFE0, v53  }
0xf7: {  	v3 =	vor.u32 v3, v4  }
0xf8: {  	v4 =	vperm.xlane v3, v0;
	_ =	sdelay $0x1  }
0xf9: {  	v4 =	vadd.s32 v1, v4;
	_ =	sdelay $0x1  }
0xfa: {  	v3 =	vperm.xlane v3, v2;
	_ =	sdelay $0x1  }
0xfb: {  	s20 =	rddreg [dreg:$0x18];
	v3 =	vadd.s32 v1, v3  }
0xfc: {  	[tilespmem:s20], [sflag:$0x2] =	stream.indirect_vreg.gather [hbm4b:s1+s3], $0x80, v4, vm0, $0xb8;
	[tilespmem:$0x1ED00] =	vst v63  }
0xfd: {  	s28 =	rddreg [dreg:$0x19]  }
0xfe: {  	[tilespmem:s28], [sflag:$0x2] =	stream.indirect_vreg.gather [hbm4b:s5+s3], $0x80, v4, vm0, $0xb8;
	[tilespmem:$0x1ED00] =	vst v63  }
0xff: {  	s19 =	rddreg [dreg:$0x1a]  }
0x100: {  	[tilespmem:s19], [sflag:$0x2] =	stream.indirect_vreg.gather [hbm4b:s1+s3], $0x80, v3, vm0, $0xb8;
	[tilespmem:$0x1ED00] =	vst v63  }
0x101: {  	s28 =	rddreg [dreg:$0x1b]  }
0x102: {  	[tilespmem:s28], [sflag:$0x2] =	stream.indirect_vreg.gather [hbm4b:s5+s3], $0x80, v3, vm0, $0xb8;
	[tilespmem:$0x1ED00] =	vst v63  }
0x103: {  	v3 =	vld [tilespmem:s17+$0x20];
	_ =	sdelay $0x4  }
0x104: {  	v54 =	vshll.u32 v3, $0x2  }
0x105: {  	v3 =	vand.u32 $0x7, v3;
	v4 =	vand.u32 $0xFFFFFFE0, v54  }
0x106: {  	v3 =	vor.u32 v3, v4  }
0x107: {  	v4 =	vperm.xlane v3, v0;
	_ =	sdelay $0x1  }
0x108: {  	v4 =	vadd.s32 v1, v4;
	_ =	sdelay $0x1  }
0x109: {  	v3 =	vperm.xlane v3, v2;
	_ =	sdelay $0x1  }
0x10a: {  	s20 =	rddreg [dreg:$0x1c];
	v3 =	vadd.s32 v1, v3  }
0x10b: {  	[tilespmem:s20], [sflag:$0x2] =	stream.indirect_vreg.gather [hbm4b:s1+s3], $0x80, v4, vm0, $0xb8;
	[tilespmem:$0x1ED00] =	vst v63  }
0x10c: {  	s28 =	rddreg [dreg:$0x1d]  }
0x10d: {  	[tilespmem:s28], [sflag:$0x2] =	stream.indirect_vreg.gather [hbm4b:s5+s3], $0x80, v4, vm0, $0xb8;
	[tilespmem:$0x1ED00] =	vst v63  }
0x10e: {  	s19 =	rddreg [dreg:$0x1e]  }
0x10f: {  	[tilespmem:s19], [sflag:$0x2] =	stream.indirect_vreg.gather [hbm4b:s1+s3], $0x80, v3, vm0, $0xb8;
	[tilespmem:$0x1ED00] =	vst v63  }
0x110: {  	s28 =	rddreg [dreg:$0x1f]  }
0x111: {  	[tilespmem:s28], [sflag:$0x2] =	stream.indirect_vreg.gather [hbm4b:s5+s3], $0x80, v3, vm0, $0xb8;
	[tilespmem:$0x1ED00] =	vst v63  }
0x112: {  	v3 =	vld.msk [tilespmem:s17+$0x30], $0xff;
	_ =	sdelay $0x4  }
0x113: {  	v55 =	vshll.u32 v3, $0x2  }
0x114: {  	v3 =	vand.u32 $0x7, v3;
	v4 =	vand.u32 $0xFFFFFFE0, v55  }
0x115: {  	v3 =	vor.u32 v3, v4  }
0x116: {  	v3 =	vperm.xlane v3, v0;
	_ =	sdelay $0x1  }
0x117: {  	v3 =	vadd.s32 v1, v3;
	_ =	sdelay $0x1  }
0x118: {  	s20 =	sld [smem:$0x7FB];
	_ =	sdelay $0x1  }
0x119: {  	s28 =	sld [smem:$0x7FC]  }
0x11a: {  	[tilespmem:s20], [sflag:$0x2] =	stream.indirect_vreg.gather [hbm4b:s1+s3], $0x80, v3, vm0, $0xb8;
	[tilespmem:$0x1ED00] =	vst v63  }
0x11b: {  	_ = 	snop  }
0x11c: {  	[tilespmem:s28], [sflag:$0x2] =	stream.indirect_vreg.gather [hbm4b:s5+s3], $0x80, v3, vm0, $0xb8;
	[tilespmem:$0x1ED00] =	vst v63  }
0x11d: {  	_ =	swait.ge [sflag:s15], $0xF000  }
0x11e: {  	s28 =	rddreg [dreg:$0x4];
	[sflag:s15] =	ssyncset.done $0x0  }
0x11f: {  	[sflag:s15] =	ssyncadd.s32 $0xFFFF1000;
	s19 =	sadd.s32 s18, s28  }
0x120: {  	[hbm4b:s19+s3] =	stream.linear.scatter [tilespmem:s10], [sflag:$0x3], $0xF000, $0x38;
	[tilespmem:$0x1ED00] =	vst v63  }
0x121: {  	_ =	swait.ge [sflag:s9], $0xF000  }
0x122: {  	[sflag:s9] =	ssyncset.done $0x0  }
0x123: {  	[sflag:s9] =	ssyncadd.s32 $0xFFFF1000  }
0x124: {  	v3 =	vld [tilespmem:s17+$0x38];
	_ =	sdelay $0x4  }
0x125: {  	v56 =	vshll.u32 v3, $0x2  }
0x126: {  	v3 =	vand.u32 $0x7, v3;
	v4 =	vand.u32 $0xFFFFFFE0, v56  }
0x127: {  	v3 =	vor.u32 v3, v4  }
0x128: {  	v4 =	vperm.xlane v3, v0;
	_ =	sdelay $0x1  }
0x129: {  	v4 =	vadd.s32 v1, v4;
	_ =	sdelay $0x1  }
0x12a: {  	v3 =	vperm.xlane v3, v2;
	_ =	sdelay $0x1  }
0x12b: {  	v3 =	vadd.s32 v1, v3  }
0x12c: {  	[tilespmem:s10], [sflag:$0x1] =	stream.indirect_vreg.gather [hbm4b:s1+s3], $0x80, v4, vm0, $0xb8;
	[tilespmem:$0x1ED00] =	vst v63  }
0x12d: {  	s20 =	simm.s32 $0x1500  }
0x12e: {  	[tilespmem:s20], [sflag:$0x1] =	stream.indirect_vreg.gather [hbm4b:s5+s3], $0x80, v4, vm0, $0xb8;
	[tilespmem:$0x1ED00] =	vst v63  }
0x12f: {  	_ = 	snop  }
0x130: {  	[tilespmem:s21], [sflag:$0x1] =	stream.indirect_vreg.gather [hbm4b:s1+s3], $0x80, v3, vm0, $0xb8;
	[tilespmem:$0x1ED00] =	vst v63  }
0x131: {  	_ = 	snop  }
0x132: {  	[tilespmem:s22], [sflag:$0x1] =	stream.indirect_vreg.gather [hbm4b:s5+s3], $0x80, v3, vm0, $0xb8;
	[tilespmem:$0x1ED00] =	vst v63  }
0x133: {  	v3 =	vld [tilespmem:s17+$0x48];
	_ =	sdelay $0x4  }
0x134: {  	v57 =	vshll.u32 v3, $0x2  }
0x135: {  	v3 =	vand.u32 $0x7, v3;
	v4 =	vand.u32 $0xFFFFFFE0, v57  }
0x136: {  	v3 =	vor.u32 v3, v4  }
0x137: {  	v4 =	vperm.xlane v3, v0;
	_ =	sdelay $0x1  }
0x138: {  	v4 =	vadd.s32 v1, v4;
	_ =	sdelay $0x1  }
0x139: {  	v3 =	vperm.xlane v3, v2;
	_ =	sdelay $0x1  }
0x13a: {  	s28 =	simm.s32 $0x2D00;
	v3 =	vadd.s32 v1, v3  }
0x13b: {  	[tilespmem:s28], [sflag:$0x1] =	stream.indirect_vreg.gather [hbm4b:s1+s3], $0x80, v4, vm0, $0xb8;
	[tilespmem:$0x1ED00] =	vst v63  }
0x13c: {  	_ = 	snop  }
0x13d: {  	[tilespmem:s24], [sflag:$0x1] =	stream.indirect_vreg.gather [hbm4b:s5+s3], $0x80, v4, vm0, $0xb8;
	[tilespmem:$0x1ED00] =	vst v63  }
0x13e: {  	_ = 	snop  }
0x13f: {  	[tilespmem:s25], [sflag:$0x1] =	stream.indirect_vreg.gather [hbm4b:s1+s3], $0x80, v3, vm0, $0xb8;
	[tilespmem:$0x1ED00] =	vst v63  }
0x140: {  	_ = 	snop  }
0x141: {  	[tilespmem:s26], [sflag:$0x1] =	stream.indirect_vreg.gather [hbm4b:s5+s3], $0x80, v3, vm0, $0xb8;
	[tilespmem:$0x1ED00] =	vst v63  }
0x142: {  	v3 =	vld [tilespmem:s17+$0x58];
	_ =	sdelay $0x4  }
0x143: {  	v58 =	vshll.u32 v3, $0x2  }
0x144: {  	v3 =	vand.u32 $0x7, v3;
	v4 =	vand.u32 $0xFFFFFFE0, v58  }
0x145: {  	v3 =	vor.u32 v3, v4  }
0x146: {  	v4 =	vperm.xlane v3, v0;
	_ =	sdelay $0x1  }
0x147: {  	v4 =	vadd.s32 v1, v4;
	_ =	sdelay $0x1  }
0x148: {  	v3 =	vperm.xlane v3, v2;
	_ =	sdelay $0x1  }
0x149: {  	s28 =	simm.s32 $0x4D00;
	v3 =	vadd.s32 v1, v3  }
0x14a: {  	[tilespmem:s28], [sflag:$0x1] =	stream.indirect_vreg.gather [hbm4b:s1+s3], $0x80, v4, vm0, $0xb8;
	[tilespmem:$0x1ED00] =	vst v63  }
0x14b: {  	_ = 	snop  }
0x14c: {  	[tilespmem:s29], [sflag:$0x1] =	stream.indirect_vreg.gather [hbm4b:s5+s3], $0x80, v4, vm0, $0xb8;
	[tilespmem:$0x1ED00] =	vst v63  }
0x14d: {  	_ = 	snop  }
0x14e: {  	[tilespmem:s30], [sflag:$0x1] =	stream.indirect_vreg.gather [hbm4b:s1+s3], $0x80, v3, vm0, $0xb8;
	[tilespmem:$0x1ED00] =	vst v63  }
0x14f: {  	_ = 	snop  }
0x150: {  	[tilespmem:s31], [sflag:$0x1] =	stream.indirect_vreg.gather [hbm4b:s5+s3], $0x80, v3, vm0, $0xb8;
	[tilespmem:$0x1ED00] =	vst v63  }
0x151: {  	v3 =	vld [tilespmem:s17+$0x68];
	_ =	sdelay $0x4  }
0x152: {  	v59 =	vshll.u32 v3, $0x2  }
0x153: {  	v3 =	vand.u32 $0x7, v3;
	v4 =	vand.u32 $0xFFFFFFE0, v59  }
0x154: {  	v3 =	vor.u32 v3, v4  }
0x155: {  	v4 =	vperm.xlane v3, v0;
	_ =	sdelay $0x1  }
0x156: {  	v4 =	vadd.s32 v1, v4;
	_ =	sdelay $0x1  }
0x157: {  	v3 =	vperm.xlane v3, v2;
	_ =	sdelay $0x1  }
0x158: {  	s28 =	simm.s32 $0x6D00;
	v3 =	vadd.s32 v1, v3  }
0x159: {  	[tilespmem:s28], [sflag:$0x1] =	stream.indirect_vreg.gather [hbm4b:s1+s3], $0x80, v4, vm0, $0xb8;
	[tilespmem:$0x1ED00] =	vst v63  }
0x15a: {  	_ = 	snop  }
0x15b: {  	[tilespmem:s0], [sflag:$0x1] =	stream.indirect_vreg.gather [hbm4b:s5+s3], $0x80, v4, vm0, $0xb8;
	[tilespmem:$0x1ED00] =	vst v63  }
0x15c: {  	_ = 	snop  }
0x15d: {  	[tilespmem:s4], [sflag:$0x1] =	stream.indirect_vreg.gather [hbm4b:s1+s3], $0x80, v3, vm0, $0xb8;
	[tilespmem:$0x1ED00] =	vst v63  }
0x15e: {  	_ = 	snop  }
0x15f: {  	[tilespmem:s6], [sflag:$0x1] =	stream.indirect_vreg.gather [hbm4b:s5+s3], $0x80, v3, vm0, $0xb8;
	[tilespmem:$0x1ED00] =	vst v63  }
0x160: {  	v3 =	vld [tilespmem:s17+$0x78];
	_ =	sdelay $0x4  }
0x161: {  	v60 =	vshll.u32 v3, $0x2  }
0x162: {  	v3 =	vand.u32 $0x7, v3;
	v4 =	vand.u32 $0xFFFFFFE0, v60  }
0x163: {  	v3 =	vor.u32 v3, v4  }
0x164: {  	v4 =	vperm.xlane v3, v0;
	_ =	sdelay $0x1  }
0x165: {  	v4 =	vadd.s32 v1, v4;
	_ =	sdelay $0x1  }
0x166: {  	v3 =	vperm.xlane v3, v2;
	_ =	sdelay $0x1  }
0x167: {  	s28 =	simm.s32 $0x8D00;
	v3 =	vadd.s32 v1, v3  }
0x168: {  	[tilespmem:s28], [sflag:$0x1] =	stream.indirect_vreg.gather [hbm4b:s1+s3], $0x80, v4, vm0, $0xb8;
	[tilespmem:$0x1ED00] =	vst v63  }
0x169: {  	_ = 	snop  }
0x16a: {  	[tilespmem:s8], [sflag:$0x1] =	stream.indirect_vreg.gather [hbm4b:s5+s3], $0x80, v4, vm0, $0xb8;
	[tilespmem:$0x1ED00] =	vst v63  }
0x16b: {  	_ = 	snop  }
0x16c: {  	[tilespmem:s11], [sflag:$0x1] =	stream.indirect_vreg.gather [hbm4b:s1+s3], $0x80, v3, vm0, $0xb8;
	[tilespmem:$0x1ED00] =	vst v63  }
0x16d: {  	_ = 	snop  }
0x16e: {  	[tilespmem:s12], [sflag:$0x1] =	stream.indirect_vreg.gather [hbm4b:s5+s3], $0x80, v3, vm0, $0xb8;
	[tilespmem:$0x1ED00] =	vst v63  }
0x16f: {  	v3 =	vld [tilespmem:s17+$0x88];
	_ =	sdelay $0x4  }
0x170: {  	v61 =	vshll.u32 v3, $0x2  }
0x171: {  	v3 =	vand.u32 $0x7, v3;
	v4 =	vand.u32 $0xFFFFFFE0, v61  }
0x172: {  	v3 =	vor.u32 v3, v4  }
0x173: {  	v4 =	vperm.xlane v3, v0;
	_ =	sdelay $0x1  }
0x174: {  	v4 =	vadd.s32 v1, v4;
	_ =	sdelay $0x1  }
0x175: {  	v3 =	vperm.xlane v3, v2;
	_ =	sdelay $0x1  }
0x176: {  	s28 =	simm.s32 $0xAD00;
	v3 =	vadd.s32 v1, v3  }
0x177: {  	[tilespmem:s28], [sflag:$0x1] =	stream.indirect_vreg.gather [hbm4b:s1+s3], $0x80, v4, vm0, $0xb8;
	[tilespmem:$0x1ED00] =	vst v63  }
0x178: {  	_ = 	snop  }
0x179: {  	[tilespmem:s2], [sflag:$0x1] =	stream.indirect_vreg.gather [hbm4b:s5+s3], $0x80, v4, vm0, $0xb8;
	[tilespmem:$0x1ED00] =	vst v63  }
0x17a: {  	_ = 	snop  }
0x17b: {  	[tilespmem:s7], [sflag:$0x1] =	stream.indirect_vreg.gather [hbm4b:s1+s3], $0x80, v3, vm0, $0xb8;
	[tilespmem:$0x1ED00] =	vst v63  }
0x17c: {  	s28 =	simm.s32 $0xC500  }
0x17d: {  	[tilespmem:s28], [sflag:$0x1] =	stream.indirect_vreg.gather [hbm4b:s5+s3], $0x80, v3, vm0, $0xb8;
	[tilespmem:$0x1ED00] =	vst v63  }
0x17e: {  	v3 =	vld [tilespmem:s17+$0x98];
	_ =	sdelay $0x4  }
0x17f: {  	v62 =	vshll.u32 v3, $0x2  }
0x180: {  	v3 =	vand.u32 $0x7, v3;
	v4 =	vand.u32 $0xFFFFFFE0, v62  }
0x181: {  	v3 =	vor.u32 v3, v4  }
0x182: {  	v4 =	vperm.xlane v3, v0;
	_ =	sdelay $0x1  }
0x183: {  	v4 =	vadd.s32 v1, v4;
	_ =	sdelay $0x1  }
0x184: {  	v3 =	vperm.xlane v3, v2;
	_ =	sdelay $0x1  }
0x185: {  	s28 =	simm.s32 $0xCD00;
	v3 =	vadd.s32 v1, v3  }
0x186: {  	[tilespmem:s28], [sflag:$0x1] =	stream.indirect_vreg.gather [hbm4b:s1+s3], $0x80, v4, vm0, $0xb8;
	[tilespmem:$0x1ED00] =	vst v63  }
0x187: {  	s28 =	simm.s32 $0xD500  }
0x188: {  	[tilespmem:s28], [sflag:$0x1] =	stream.indirect_vreg.gather [hbm4b:s5+s3], $0x80, v4, vm0, $0xb8;
	[tilespmem:$0x1ED00] =	vst v63  }
0x189: {  	s28 =	simm.s32 $0xDD00  }
0x18a: {  	[tilespmem:s28], [sflag:$0x1] =	stream.indirect_vreg.gather [hbm4b:s1+s3], $0x80, v3, vm0, $0xb8;
	[tilespmem:$0x1ED00] =	vst v63  }
0x18b: {  	s28 =	simm.s32 $0xE500  }
0x18c: {  	[tilespmem:s28], [sflag:$0x1] =	stream.indirect_vreg.gather [hbm4b:s5+s3], $0x80, v3, vm0, $0xb8;
	[tilespmem:$0x1ED00] =	vst v63  }
0x18d: {  	v3 =	vld.msk [tilespmem:s17+$0xA8], $0xff;
	_ =	sdelay $0x4  }
0x18e: {  	v63 =	vshll.u32 v3, $0x2  }
0x18f: {  	v3 =	vand.u32 $0x7, v3;
	v4 =	vand.u32 $0xFFFFFFE0, v63  }
0x190: {  	v3 =	vor.u32 v3, v4  }
0x191: {  	v3 =	vperm.xlane v3, v0;
	_ =	sdelay $0x1  }
0x192: {  	v3 =	vadd.s32 v1, v3;
	_ =	sdelay $0x4  }
0x193: {  	[tilespmem:s13], [sflag:$0x1] =	stream.indirect_vreg.gather [hbm4b:s1+s3], $0x80, v3, vm0, $0xb8;
	[tilespmem:$0x1ED00] =	vst v63  }
0x194: {  	_ = 	snop  }
0x195: {  	[tilespmem:s23], [sflag:$0x1] =	stream.indirect_vreg.gather [hbm4b:s5+s3], $0x80, v3, vm0, $0xb8;
	[tilespmem:$0x1ED00] =	vst v63  }
0x196: {  	_ =	swait.ge [sflag:s16], $0xF000  }
0x197: {  	p1 =	sne.s32 s18, $0x2D000;
	[sflag:s16] =	ssyncset.done $0x0  }
.Ltmp0:
0x198: {  	s19 =	sadd.s32 $0x1E00, s19;
	[sflag:s16] =	ssyncadd.s32 $0xFFFF1000;
	(pc) =	sbr.rel @p1 .LBB2_2-.Ltmp0, $4  }
0x199: {  	[hbm4b:s19+s3] =	stream.linear.scatter [tilespmem:s14], [sflag:$0x3], $0xF000, $0x38;
	[tilespmem:$0x1ED00] =	vst v63  }
0x19a: {  	_ =	swait.ge [sflag:s9], $0xF000  }
0x19b: {  	[sflag:s9] =	ssyncset.done $0x0  }
0x19c: {  	s18 =	sadd.s32 $0x3C00, s18;
	s17 =	sadd.s32 $0xF0, s17;
	[sflag:s9] =	ssyncadd.s32 $0xFFFF1000  }
0x19d: {  	_ =	swait.ge [sflag:s15], $0xF000  }
0x19e: {  	s19 =	sld [smem:$0x7F8]  }
0x19f: {  	[sflag:s15] =	ssyncset.done $0x0  }
0x1a0: {  	s17 =	simm.s32 @p0 $0x0;
	s18 =	simm.s32 @p0 $0xD00;
	[sflag:s15] =	ssyncadd.s32 $0xFFFF1000  }
0x1a1: {  	[hbm4b:s19+s17] =	stream.linear.scatter @p0 [tilespmem:s18], [sflag:$0x3], $0xF000, $0x38;
	[tilespmem:$0x1ED00] =	vst v63  }
0x1a2: {  	s17 =	simm.s32 @p0 $0x3  }
0x1a3: {  	_ =	swait.ge @p0 [sflag:s17], $0xF000  }
0x1a4: {  	s19 =	sld [smem:$0x7F9]  }
0x1a5: {  	[sflag:s17] =	ssyncset.done @p0 $0x0  }
0x1a6: {  	s18 =	simm.s32 @!p0 $0xD00;
	[sflag:s17] =	ssyncadd.s32 @p0 $0xFFFF1000;
	s17 =	simm.s32 @!p0 $0x0  }
0x1a7: {  	[hbm4b:s19+s17] =	stream.linear.scatter @!p0 [tilespmem:s18], [sflag:$0x3], $0x5000, $0x38;
	[tilespmem:$0x1ED00] =	vst v63  }
0x1a8: {  	s17 =	simm.s32 @!p0 $0x3  }
0x1a9: {  	_ =	swait.ge @!p0 [sflag:s17], $0x5000  }
0x1aa: {  	s21 =	simm.s32 $0x2D00;
	s0 =	sld [smem:$0x7FD]  }
0x1ab: {  	s22 =	simm.s32 $0x3500;
	s23 =	simm.s32 $0x3D00;
	s26 =	sld [smem:$0x7FA]  }
0x1ac: {  	s24 =	simm.s32 $0x4500;
	s25 =	simm.s32 $0x4D00;
	s28 =	simm.s32 $0x5D00  }
0x1ad: {  	s29 =	simm.s32 $0x6500;
	s30 =	simm.s32 $0x6D00;
	s0 =	sadd.s32 $0x1, s0  }
0x1ae: {  	s31 =	simm.s32 $0x7500;
	s2 =	simm.s32 $0x7D00;
	p1 =	sne.s32 s0, s26  }
.Ltmp1:
0x1af: {  	s4 =	simm.s32 $0x8D00;
	s6 =	simm.s32 $0x9500;
	(pc) =	sbr.rel @p1 .LBB2_1-.Ltmp1, $4  }
0x1b0: {  	s7 =	simm.s32 $0x9D00;
	s8 =	simm.s32 $0xA500;
	s11 =	simm.s32 $0xAD00  }
0x1b1: {  	s12 =	simm.s32 $0xB500;
	s13 =	simm.s32 $0xBD00;
	[sflag:s17] =	ssyncset.done @!p0 $0x0  }
0x1b2: {  	s18 =	simm.s32 $0x1D00;
	s19 =	simm.s32 $0x2500;
	[sflag:s17] =	ssyncadd.s32 @!p0 $0xFFFFB000  }
0x1b3: {  	[smem:$0x7FD] =	sst s0;
	s26 =	simm.s32 $0x5500;
	s0 =	simm.s32 $0x8500  }
0x1b4: {  	_ =	sfence.sel $0x180000  }
0x1b5: {  	[bflag:$0x0] =	sbarrier.arrive $0xFFFF  }
0x1b6: {  	_ =	strace $0x90000047  }
0x1b7: {  	s0 =	stileid.u32;
	[bflag:$0x2] =	sbarrier.arrive $0xFFFF  }
0x1b8: {  	p0 =	sne.s32 s0, $0x0;
	s0 =	rddreg [dreg:$0x3]  }
0x1b9: {  	s0 =	sadd.s32 @!p0 $0x100000, s0  }
0x1ba: {  	[sflag:s0] =	ssyncadd.tile.s32 @!p0 $0x1;
	_ =	shalt  }
.Lfunc_end2:
_tile_overlayer_lowered:
.L_overlay_start_2:
0x1bb: {  	(tag) =	ssettag $0x2  }
0x1bc: {  	s0 =	rddreg [dreg:$0x0];
	s2 =	stileid.u32  }
0x1bd: {  	s1 =	rddreg [dreg:$0x1];
	p0 =	sne.s32 s2, $0x0  }
0x1be: {  	s3 =	rddreg [dreg:$0x2];
	[bflag:$0x3] =	sbarrier.arrive $0xFFFF;
	s2 =	simm.s32 @!p0 $0x1C03  }
0x1bf: {  	[timem:s3], [sflag:s2] =	dma.local @!p0 [hbm:s0], s1  }
0x1c0: {  	s0 =	simm.s32 @!p0 $0x3  }
0x1c1: {  	_ =	swait.ge @!p0 [sflag:s0], s1  }
0x1c2: {  	s1 =	ssub.s32 @!p0 $0x0, s1;
	[sflag:s0] =	ssyncset.done @!p0 $0x0  }
0x1c3: {  	[sflag:s0] =	ssyncadd.s32 @!p0 s1  }
0x1c4: {  	[bflag:$0x3] =	sbarrier.arrive $0xFFFF  }
0x1c5: {  	_ =	shalt  }

</sc_bundles>
